<compile_context>
chip_gen: v7x
topology: tpu7x:2x2x1
jax: 0.10.2.dev20260603
libtpu: 0.0.44.dev20260713+nightly
codegen_flags: <defaults>
</compile_context>

<pallas_src>
import functools

import jax
import jax.numpy as jnp
from jax import lax
from jax.experimental import pallas as pl
from jax.experimental.pallas import tpu as pltpu
from jax.experimental.pallas import tpu_sc as plsc

N_NODES_C = 100000
N_EDGES_C = 6400000

LANES = 128
ROWS = 800
NPAD = ROWS * LANES

NC = 2
NS = 16
NW = NC * NS
NPT = NPAD // NS

TBLK = 1600
EPAD = NW * TBLK * LANES
KB = 64
CHUNKE = KB * LANES
NITER = TBLK // KB

_mesh = plsc.VectorSubcoreMesh(
    core_axis_name="c", subcore_axis_name="s", num_cores=NC, num_subcores=NS)


def _fill(buf, value, n):
    vec = jnp.full((16,), value, jnp.float32)

    def body(i, _):
        buf[pl.ds(i * 16, 16)] = vec
        return 0

    lax.fori_loop(0, n // 16, body, 0)


@functools.partial(
    pl.kernel,
    out_type=jax.ShapeDtypeStruct((NC * NPAD,), jnp.float32),
    mesh=_mesh,
    scratch_types=[
        pltpu.VMEM((KB, LANES), jnp.int32),
        pltpu.VMEM((LANES,), jnp.float32),
        pltpu.VMEM((NPT,), jnp.float32),
        pltpu.VMEM_SHARED((NPAD,), jnp.float32),
        pltpu.SemaphoreType.DMA,
    ],
)
def _sc_degree(dst_hbm, out_hbm, dst_v, ones_v, node_v, acc_s, sem_s):
    c = lax.axis_index("c")
    s = lax.axis_index("s")
    wid = c * NS + s
    _fill(ones_v, 1.0, LANES)
    _fill(node_v, 0.0, NPT)
    pltpu.sync_copy(node_v, acc_s.at[pl.ds(s * NPT, NPT)])
    plsc.subcore_barrier()

    def chunk(it, _):
        rowbase = wid * TBLK + it * KB
        pltpu.sync_copy(dst_hbm.at[pl.ds(rowbase, KB)], dst_v)

        def fire(j, _):
            pltpu.async_copy(ones_v, acc_s.at[dst_v.at[j]], sem_s, add=True)
            return 0

        lax.fori_loop(0, KB, fire, 0)

        def drain(j, _):
            pltpu.make_async_copy(ones_v, acc_s.at[dst_v.at[0]], sem_s).wait()
            return 0

        lax.fori_loop(0, KB, drain, 0)
        return 0

    lax.fori_loop(0, NITER, chunk, 0)
    plsc.subcore_barrier()
    pltpu.sync_copy(acc_s.at[pl.ds(s * NPT, NPT)], node_v)
    pltpu.sync_copy(node_v, out_hbm.at[pl.ds(c * NPAD + s * NPT, NPT)])


@functools.partial(
    pl.kernel,
    out_type=jax.ShapeDtypeStruct((NC * 3 * NPAD,), jnp.float32),
    mesh=_mesh,
    scratch_types=[
        pltpu.VMEM((CHUNKE,), jnp.int32),
        pltpu.VMEM((KB, LANES), jnp.int32),
        pltpu.VMEM((CHUNKE,), jnp.float32),
        pltpu.VMEM((CHUNKE,), jnp.float32),
        pltpu.VMEM((CHUNKE,), jnp.float32),
        pltpu.VMEM((NPT,), jnp.float32),
        pltpu.VMEM_SHARED((NPAD,), jnp.float32),
        pltpu.VMEM_SHARED((NPAD,), jnp.float32),
        pltpu.VMEM_SHARED((NPAD,), jnp.float32),
        pltpu.VMEM_SHARED((NPAD,), jnp.float32),
        pltpu.VMEM_SHARED((NPAD,), jnp.float32),
        pltpu.VMEM_SHARED((NPAD,), jnp.float32),
        pltpu.SemaphoreType.DMA,
        pltpu.SemaphoreType.DMA,
    ],
)
def _sc_agg3(src_hbm, dst_hbm, g1_hbm, out_hbm, src_v, dst_v, gb0, gb1, gb2,
             node_v, t0, t1, t2, a0, a1, a2, sem_g, sem_s):
    c = lax.axis_index("c")
    s = lax.axis_index("s")
    wid = c * NS + s
    tabs = (t0, t1, t2)
    accs = (a0, a1, a2)
    gbs = (gb0, gb1, gb2)
    sl = pl.ds(s * NPT, NPT)
    _fill(node_v, 0.0, NPT)
    for ch in range(3):
        pltpu.sync_copy(node_v, accs[ch].at[sl])
    for ch in range(3):
        pltpu.sync_copy(g1_hbm.at[pl.ds(ch * NPAD + s * NPT, NPT)], node_v)
        pltpu.sync_copy(node_v, tabs[ch].at[sl])
    plsc.subcore_barrier()

    def chunk(it, _):
        rowbase = wid * TBLK + it * KB
        pltpu.sync_copy(src_hbm.at[pl.ds(rowbase * LANES, CHUNKE)], src_v)
        pltpu.sync_copy(dst_hbm.at[pl.ds(rowbase, KB)], dst_v)
        descs = [pltpu.async_copy(tabs[ch].at[src_v], gbs[ch], sem_g)
                 for ch in range(3)]
        for d in descs:
            d.wait()

        def fire(j, _):
            row = pl.ds(pl.multiple_of(j * LANES, LANES), LANES)
            for ch in range(3):
                pltpu.async_copy(gbs[ch].at[row], accs[ch].at[dst_v.at[j]],
                                 sem_s, add=True)
            return 0

        lax.fori_loop(0, KB, fire, 0)

        def drain(j, _):
            for ch in range(3):
                pltpu.make_async_copy(gbs[ch].at[pl.ds(0, LANES)],
                                      accs[ch].at[dst_v.at[0]], sem_s).wait()
            return 0

        lax.fori_loop(0, KB, drain, 0)
        return 0

    lax.fori_loop(0, NITER, chunk, 0)
    plsc.subcore_barrier()
    for ch in range(3):
        pltpu.sync_copy(accs[ch].at[sl], node_v)
        pltpu.sync_copy(
            node_v, out_hbm.at[pl.ds((c * 3 + ch) * NPAD + s * NPT, NPT)])


@functools.partial(
    pl.kernel,
    out_type=jax.ShapeDtypeStruct((NC * NPAD,), jnp.float32),
    mesh=_mesh,
    scratch_types=[
        pltpu.VMEM((CHUNKE,), jnp.int32),
        pltpu.VMEM((KB, LANES), jnp.int32),
        pltpu.VMEM((CHUNKE,), jnp.float32),
        pltpu.VMEM((NPT,), jnp.float32),
        pltpu.VMEM_SHARED((NPAD,), jnp.float32),
        pltpu.VMEM_SHARED((NPAD,), jnp.float32),
        pltpu.SemaphoreType.DMA,
        pltpu.SemaphoreType.DMA,
    ],
)
def _sc_agg1(src_hbm, dst_hbm, g2_hbm, out_hbm, src_v, dst_v, gb0, node_v,
             tab_s, acc_s, sem_g, sem_s):
    c = lax.axis_index("c")
    s = lax.axis_index("s")
    wid = c * NS + s
    sl = pl.ds(s * NPT, NPT)
    _fill(node_v, 0.0, NPT)
    pltpu.sync_copy(node_v, acc_s.at[sl])
    pltpu.sync_copy(g2_hbm.at[pl.ds(s * NPT, NPT)], node_v)
    pltpu.sync_copy(node_v, tab_s.at[sl])
    plsc.subcore_barrier()

    def chunk(it, _):
        rowbase = wid * TBLK + it * KB
        pltpu.sync_copy(src_hbm.at[pl.ds(rowbase * LANES, CHUNKE)], src_v)
        pltpu.sync_copy(dst_hbm.at[pl.ds(rowbase, KB)], dst_v)
        pltpu.async_copy(tab_s.at[src_v], gb0, sem_g).wait()

        def fire(j, _):
            row = pl.ds(pl.multiple_of(j * LANES, LANES), LANES)
            pltpu.async_copy(gb0.at[row],
                             acc_s.at[dst_v.at[j]], sem_s, add=True)
            return 0

        lax.fori_loop(0, KB, fire, 0)

        def drain(j, _):
            pltpu.make_async_copy(gb0.at[pl.ds(0, LANES)],
                                  acc_s.at[dst_v.at[0]], sem_s).wait()
            return 0

        lax.fori_loop(0, KB, drain, 0)
        return 0

    lax.fori_loop(0, NITER, chunk, 0)
    plsc.subcore_barrier()
    pltpu.sync_copy(acc_s.at[sl], node_v)
    pltpu.sync_copy(node_v, out_hbm.at[pl.ds(c * NPAD + s * NPT, NPT)])


def _tc_norm_body(degp_ref, xq_ref, dinv_ref, g1_ref):
    deg = degp_ref[0] + degp_ref[1] + 1.0
    dinv = deg ** -0.5
    dinv_ref[...] = dinv
    g1_ref[...] = xq_ref[...] * dinv[None]


def _tc_dense_body(aggp_ref, g1_ref, dinv_ref, w1_ref, b1_ref, w2_ref,
                   g2_ref):
    dinv = dinv_ref[...]
    xa = [(aggp_ref[0, ch] + aggp_ref[1, ch] + g1_ref[ch]) * dinv
          for ch in range(3)]
    s = jnp.zeros((ROWS, LANES), jnp.float32)
    for o in range(16):
        h = (xa[0] * w1_ref[0, o] + xa[1] * w1_ref[1, o]
             + xa[2] * w1_ref[2, o] + b1_ref[o])
        s = s + jnp.maximum(h, 0.0) * w2_ref[o, 0]
    g2_ref[...] = s * dinv


def _tc_final_body(a2p_ref, g2_ref, dinv_ref, b2_ref, out_ref):
    out_ref[...] = ((a2p_ref[0] + a2p_ref[1] + g2_ref[...])
                    * dinv_ref[...] + b2_ref[0])


def kernel(x, edge_index, W1, b1, W2, b2):
    f32 = jnp.float32
    ei = edge_index.astype(jnp.int32)
    npad_e = EPAD - N_EDGES_C
    pad_idx = (N_NODES_C
               + jnp.arange(npad_e, dtype=jnp.int32) % (NPAD - N_NODES_C))
    src1 = jnp.concatenate([ei[0], pad_idx])
    dst2 = jnp.concatenate([ei[1], pad_idx]).reshape(EPAD // LANES, LANES)

    xp = jnp.pad(x.astype(f32), ((0, NPAD - N_NODES_C), (0, 0)))
    xq = xp.T.reshape(3, ROWS, LANES)

    degp = _sc_degree(dst2)

    dinv2, g1 = pl.pallas_call(
        _tc_norm_body,
        out_shape=[
            jax.ShapeDtypeStruct((ROWS, LANES), f32),
            jax.ShapeDtypeStruct((3, ROWS, LANES), f32),
        ],
    )(degp.reshape(NC, ROWS, LANES), xq)

    aggp = _sc_agg3(src1, dst2, g1.reshape(3 * NPAD))

    g2 = pl.pallas_call(
        _tc_dense_body,
        in_specs=[
            pl.BlockSpec(memory_space=pltpu.VMEM),
            pl.BlockSpec(memory_space=pltpu.VMEM),
            pl.BlockSpec(memory_space=pltpu.VMEM),
            pl.BlockSpec(memory_space=pltpu.SMEM),
            pl.BlockSpec(memory_space=pltpu.SMEM),
            pl.BlockSpec(memory_space=pltpu.SMEM),
        ],
        out_shape=jax.ShapeDtypeStruct((ROWS, LANES), f32),
    )(aggp.reshape(NC, 3, ROWS, LANES), g1, dinv2,
      W1.astype(f32), b1.astype(f32), W2.astype(f32))

    a2p = _sc_agg1(src1, dst2, g2.reshape(NPAD))

    out2 = pl.pallas_call(
        _tc_final_body,
        in_specs=[
            pl.BlockSpec(memory_space=pltpu.VMEM),
            pl.BlockSpec(memory_space=pltpu.VMEM),
            pl.BlockSpec(memory_space=pltpu.VMEM),
            pl.BlockSpec(memory_space=pltpu.SMEM),
        ],
        out_shape=jax.ShapeDtypeStruct((ROWS, LANES), f32),
    )(a2p.reshape(NC, ROWS, LANES), g2, dinv2, b2.astype(f32))

    return out2.reshape(NPAD)[:N_NODES_C]

# --- scband reference (transcript-rebuilt; emitter-appended) ---
"""Pipeline reference for scband-stock-gnn-72593537237571 (READ-ONLY COPY).

The authoritative reference and input builder live on the scoring server;
editing this copy changes nothing except your own understanding.
"""

import jax, jax.numpy as jnp
import numpy as np

N_NODES = 100000
N_EDGES = 6400000

def setup_inputs(seed: int = 0) -> dict:
    key = jax.random.key(seed)
    k1, k2, k3, k4, k5, k6 = jax.random.split(key, 6)
    x = jax.random.normal(k1, (N_NODES, 3), dtype=jnp.float32)
    edge_index = jax.random.randint(k2, (2, N_EDGES), 0, N_NODES, dtype=jnp.int64)
    W1 = jax.random.normal(k3, (3, 16), dtype=jnp.float32) * (1.0 / np.sqrt(3))
    b1 = jnp.zeros((16,), dtype=jnp.float32)
    W2 = jax.random.normal(k4, (16, 1), dtype=jnp.float32) * (1.0 / np.sqrt(16))
    b2 = jnp.zeros((1,), dtype=jnp.float32)
    return {"x": x, "edge_index": edge_index, "W1": W1, "b1": b1, "W2": W2, "b2": b2}

def _gcn_conv(x, edge_index, W, b):
    n = x.shape[0]
    # add self-loops (PyG GCNConv default)
    loop = jnp.arange(n, dtype=edge_index.dtype)
    src = jnp.concatenate([edge_index[0], loop])
    dst = jnp.concatenate([edge_index[1], loop])
    # linear transform first (in_ch <= out_ch ordering irrelevant mathematically)
    h = x @ W
    # symmetric normalization D^{-1/2} (A+I) D^{-1/2}
    deg = jnp.zeros((n,), dtype=h.dtype).at[dst].add(1.0)
    dinv = jnp.where(deg > 0, deg ** -0.5, 0.0)
    norm = dinv[src] * dinv[dst]
    msgs = h[src] * norm[:, None]
    out = jnp.zeros((n, h.shape[1]), dtype=h.dtype).at[dst].add(msgs)
    return out + b

def reference(x, edge_index, W1, b1, W2, b2):
    h = _gcn_conv(x, edge_index, W1, b1)
    h = jax.nn.relu(h)
    out = _gcn_conv(h, edge_index, W2, b2)
    return out.reshape(-1)

if __name__ == "__main__":
    import jax
    _d = setup_inputs()
    print(jax.jit(kernel)(*tuple(_d.values())))

</pallas_src>

<mosaic_0001>
#map = affine_map<(d0, d1) -> (0)>
#map1 = affine_map<(d0, d1) -> (0, 0)>
module attributes {stable_mosaic.version = 14 : i64} {
  func.func @_sc_agg1(%arg0: i32, %arg1: i32, %arg2: memref<6553600xi32, #tpu.memory_space<hbm>>, %arg3: memref<51200x128xi32, #tpu.memory_space<hbm>>, %arg4: memref<102400xf32, #tpu.memory_space<hbm>>, %arg5: memref<204800xf32, #tpu.memory_space<hbm>>, %arg6: memref<8192xi32, #tpu.memory_space<vmem>>, %arg7: memref<64x128xi32, #tpu.memory_space<vmem>>, %arg8: memref<8192xf32, #tpu.memory_space<vmem>>, %arg9: memref<6400xf32, #tpu.memory_space<vmem>>, %arg10: memref<102400xf32, #tpu.memory_space<vmem_shared>>, %arg11: memref<102400xf32, #tpu.memory_space<vmem_shared>>, %arg12: memref<!tpu.dma_semaphore, #tpu.memory_space<semaphore_mem>>, %arg13: memref<!tpu.dma_semaphore, #tpu.memory_space<semaphore_mem>>) attributes {dimension_semantics = [#tpu.dimension_semantics<core_parallel>, #tpu.dimension_semantics<subcore_parallel>], iteration_bounds = array<i64: 2, 16>, scalar_prefetch = 0 : i64, scratch_operands = 8 : i64, tpu.core_type = #tpu.core_type<sc_vector_subcore>, window_params = [{transform_indices = #map}, {transform_indices = #map1}, {transform_indices = #map}, {transform_indices = #map}]} {
    %mul3A = arith.constant 16 : i32
    %mul3A_0 = arith.muli %arg0, %mul3A : i32
    %add3A = arith.addi %mul3A_0, %arg1 : i32
    %mul3A_1 = arith.constant 6400 : i32
    %mul3A_2 = arith.muli %arg1, %mul3A_1 : i32
    %broadcast_in_dim3A = arith.constant 0.000000e+00 : f32
    %broadcast_in_dim3A_3 = vector.broadcast %broadcast_in_dim3A : f32 to vector<16xf32>
    %scan3A = arith.constant 0 : i32
    %scan3A_4 = arith.constant 0 : i32
    %scan3A_5 = arith.constant 400 : i32
    %scan3A_6 = arith.addi %scan3A_4, %scan3A_5 : i32
    %scan3A_7 = arith.constant 1 : i32
    %scan3A_8 = scf.for %scan3A_25 = %scan3A_4 to %scan3A_6 step %scan3A_7 iter_args(%scan3A_26 = %scan3A) -> (i32)  : i32 {
      %mul3A_27 = arith.constant 16 : i32
      %mul3A_28 = arith.muli %scan3A_25, %mul3A_27 : i32
      %swap3A = arith.index_cast %mul3A_28 : i32 to index
      %swap3A_29 = tpu.vector_load %arg9[%swap3A] {strides = array<i32>} : memref<6400xf32, #tpu.memory_space<vmem>>, vector<16xf32>,
      %swap3A_30 = vector.shape_cast %swap3A_29 : vector<16xf32> to vector<16xf32>
      %swap3A_31 = vector.shape_cast %broadcast_in_dim3A_3 : vector<16xf32> to vector<16xf32>
      tpu.vector_store %arg9[%swap3A], %swap3A_31 {strides = array<i32>} : memref<6400xf32, #tpu.memory_space<vmem>>, vector<16xf32>,
      %scan3A_32 = arith.constant 0 : i32
      scf.yield %scan3A_32 : i32
    }
    %scan3A_9 = arith.constant 400 : i32
    "tpu.region"() ({
      %run_scoped3A = tpu.sem_alloc : memref<!tpu.dma_semaphore, #tpu.memory_space<semaphore_mem>>
      %dma_start3A = tpu.memref_slice %arg11[%mul3A_2] : memref<102400xf32, #tpu.memory_space<vmem_shared>> -> memref<6400xf32, #tpu.memory_space<vmem_shared>>
      %dma_start3A_25 = tpu.memref_slice %arg11[%mul3A_2] : memref<102400xf32, #tpu.memory_space<vmem_shared>> -> memref<6400xf32, #tpu.memory_space<vmem_shared>>
      tpu.enqueue_dma source(%arg9 : memref<6400xf32, #tpu.memory_space<vmem>>) target(%dma_start3A_25 : memref<6400xf32, #tpu.memory_space<vmem_shared>>) target_semaphore(%run_scoped3A : memref<!tpu.dma_semaphore, #tpu.memory_space<semaphore_mem>>)
      %dma_wait3A = tpu.memref_slice %arg11[%mul3A_2] : memref<102400xf32, #tpu.memory_space<vmem_shared>> -> memref<6400xf32, #tpu.memory_space<vmem_shared>>
      %dma_wait3A_26 = tpu.memref_slice %arg11[%mul3A_2] : memref<102400xf32, #tpu.memory_space<vmem_shared>> -> memref<6400xf32, #tpu.memory_space<vmem_shared>>
      tpu.wait_dma2 semaphore(%run_scoped3A : memref<!tpu.dma_semaphore, #tpu.memory_space<semaphore_mem>>) src(%arg9 : memref<6400xf32, #tpu.memory_space<vmem>>) dst(%dma_wait3A_26 : memref<6400xf32, #tpu.memory_space<vmem_shared>>)
      tpu.yield
    }) : () -> ()
    %mul3A_10 = arith.constant 6400 : i32
    %mul3A_11 = arith.muli %arg1, %mul3A_10 : i32
    "tpu.region"() ({
      %run_scoped3A = tpu.sem_alloc : memref<!tpu.dma_semaphore, #tpu.memory_space<semaphore_mem>>
      %dma_start3A = tpu.memref_slice %arg4[%mul3A_11] : memref<102400xf32, #tpu.memory_space<hbm>> -> memref<6400xf32, #tpu.memory_space<hbm>>
      %dma_start3A_25 = tpu.memref_slice %arg4[%mul3A_11] : memref<102400xf32, #tpu.memory_space<hbm>> -> memref<6400xf32, #tpu.memory_space<hbm>>
      tpu.enqueue_dma source(%dma_start3A_25 : memref<6400xf32, #tpu.memory_space<hbm>>) target(%arg9 : memref<6400xf32, #tpu.memory_space<vmem>>) target_semaphore(%run_scoped3A : memref<!tpu.dma_semaphore, #tpu.memory_space<semaphore_mem>>)
      %dma_wait3A = tpu.memref_slice %arg4[%mul3A_11] : memref<102400xf32, #tpu.memory_space<hbm>> -> memref<6400xf32, #tpu.memory_space<hbm>>
      %dma_wait3A_26 = tpu.memref_slice %arg4[%mul3A_11] : memref<102400xf32, #tpu.memory_space<hbm>> -> memref<6400xf32, #tpu.memory_space<hbm>>
      tpu.wait_dma2 semaphore(%run_scoped3A : memref<!tpu.dma_semaphore, #tpu.memory_space<semaphore_mem>>) src(%dma_wait3A_26 : memref<6400xf32, #tpu.memory_space<hbm>>) dst(%arg9 : memref<6400xf32, #tpu.memory_space<vmem>>)
      tpu.yield
    }) : () -> ()
    "tpu.region"() ({
      %run_scoped3A = tpu.sem_alloc : memref<!tpu.dma_semaphore, #tpu.memory_space<semaphore_mem>>
      %dma_start3A = tpu.memref_slice %arg10[%mul3A_2] : memref<102400xf32, #tpu.memory_space<vmem_shared>> -> memref<6400xf32, #tpu.memory_space<vmem_shared>>
      %dma_start3A_25 = tpu.memref_slice %arg10[%mul3A_2] : memref<102400xf32, #tpu.memory_space<vmem_shared>> -> memref<6400xf32, #tpu.memory_space<vmem_shared>>
      tpu.enqueue_dma source(%arg9 : memref<6400xf32, #tpu.memory_space<vmem>>) target(%dma_start3A_25 : memref<6400xf32, #tpu.memory_space<vmem_shared>>) target_semaphore(%run_scoped3A : memref<!tpu.dma_semaphore, #tpu.memory_space<semaphore_mem>>)
      %dma_wait3A = tpu.memref_slice %arg10[%mul3A_2] : memref<102400xf32, #tpu.memory_space<vmem_shared>> -> memref<6400xf32, #tpu.memory_space<vmem_shared>>
      %dma_wait3A_26 = tpu.memref_slice %arg10[%mul3A_2] : memref<102400xf32, #tpu.memory_space<vmem_shared>> -> memref<6400xf32, #tpu.memory_space<vmem_shared>>
      tpu.wait_dma2 semaphore(%run_scoped3A : memref<!tpu.dma_semaphore, #tpu.memory_space<semaphore_mem>>) src(%arg9 : memref<6400xf32, #tpu.memory_space<vmem>>) dst(%dma_wait3A_26 : memref<6400xf32, #tpu.memory_space<vmem_shared>>)
      tpu.yield
    }) : () -> ()
    %barrier3A = arith.constant 0 : index
    tpu.barrier barrier_id(%barrier3A)
    %scan3A_12 = arith.constant 0 : i32
    %scan3A_13 = arith.constant 0 : i32
    %scan3A_14 = arith.constant 25 : i32
    %scan3A_15 = arith.addi %scan3A_13, %scan3A_14 : i32
    %scan3A_16 = arith.constant 1 : i32
    %scan3A_17 = scf.for %scan3A_25 = %scan3A_13 to %scan3A_15 step %scan3A_16 iter_args(%scan3A_26 = %scan3A_12) -> (i32)  : i32 {
      %mul3A_27 = arith.constant 1600 : i32
      %mul3A_28 = arith.muli %add3A, %mul3A_27 : i32
      %mul3A_29 = arith.constant 64 : i32
      %mul3A_30 = arith.muli %scan3A_25, %mul3A_29 : i32
      %add3A_31 = arith.addi %mul3A_28, %mul3A_30 : i32
      %mul3A_32 = arith.constant 128 : i32
      %mul3A_33 = arith.muli %add3A_31, %mul3A_32 : i32
      "tpu.region"() ({
        %run_scoped3A = tpu.sem_alloc : memref<!tpu.dma_semaphore, #tpu.memory_space<semaphore_mem>>
        %dma_start3A_51 = tpu.memref_slice %arg2[%mul3A_33] : memref<6553600xi32, #tpu.memory_space<hbm>> -> memref<8192xi32, #tpu.memory_space<hbm>>
        %dma_start3A_52 = tpu.memref_slice %arg2[%mul3A_33] : memref<6553600xi32, #tpu.memory_space<hbm>> -> memref<8192xi32, #tpu.memory_space<hbm>>
        tpu.enqueue_dma source(%dma_start3A_52 : memref<8192xi32, #tpu.memory_space<hbm>>) target(%arg6 : memref<8192xi32, #tpu.memory_space<vmem>>) target_semaphore(%run_scoped3A : memref<!tpu.dma_semaphore, #tpu.memory_space<semaphore_mem>>)
        %dma_wait3A_53 = tpu.memref_slice %arg2[%mul3A_33] : memref<6553600xi32, #tpu.memory_space<hbm>> -> memref<8192xi32, #tpu.memory_space<hbm>>
        %dma_wait3A_54 = tpu.memref_slice %arg2[%mul3A_33] : memref<6553600xi32, #tpu.memory_space<hbm>> -> memref<8192xi32, #tpu.memory_space<hbm>>
        tpu.wait_dma2 semaphore(%run_scoped3A : memref<!tpu.dma_semaphore, #tpu.memory_space<semaphore_mem>>) src(%dma_wait3A_54 : memref<8192xi32, #tpu.memory_space<hbm>>) dst(%arg6 : memref<8192xi32, #tpu.memory_space<vmem>>)
        tpu.yield
      }) : () -> ()
      "tpu.region"() ({
        %run_scoped3A = tpu.sem_alloc : memref<!tpu.dma_semaphore, #tpu.memory_space<semaphore_mem>>
        %dma_start3A_51 = arith.constant 0 : i32
        %dma_start3A_52 = tpu.memref_slice %arg3[%add3A_31, %dma_start3A_51] : memref<51200x128xi32, #tpu.memory_space<hbm>> -> memref<64x128xi32, #tpu.memory_space<hbm>>
        %dma_start3A_53 = arith.constant 0 : i32
        %dma_start3A_54 = tpu.memref_slice %arg3[%add3A_31, %dma_start3A_53] : memref<51200x128xi32, #tpu.memory_space<hbm>> -> memref<64x128xi32, #tpu.memory_space<hbm>>
        tpu.enqueue_dma source(%dma_start3A_54 : memref<64x128xi32, #tpu.memory_space<hbm>>) target(%arg7 : memref<64x128xi32, #tpu.memory_space<vmem>>) target_semaphore(%run_scoped3A : memref<!tpu.dma_semaphore, #tpu.memory_space<semaphore_mem>>)
        %dma_wait3A_55 = arith.constant 0 : i32
        %dma_wait3A_56 = tpu.memref_slice %arg3[%add3A_31, %dma_wait3A_55] : memref<51200x128xi32, #tpu.memory_space<hbm>> -> memref<64x128xi32, #tpu.memory_space<hbm>>
        %dma_wait3A_57 = arith.constant 0 : i32
        %dma_wait3A_58 = tpu.memref_slice %arg3[%add3A_31, %dma_wait3A_57] : memref<51200x128xi32, #tpu.memory_space<hbm>> -> memref<64x128xi32, #tpu.memory_space<hbm>>
        tpu.wait_dma2 semaphore(%run_scoped3A : memref<!tpu.dma_semaphore, #tpu.memory_space<semaphore_mem>>) src(%dma_wait3A_58 : memref<64x128xi32, #tpu.memory_space<hbm>>) dst(%arg7 : memref<64x128xi32, #tpu.memory_space<vmem>>)
        tpu.yield
      }) : () -> ()
      %dma_start3A = arith.constant 0 : i32
      %dma_start3A_34 = tpu.memref_slice %arg10[%dma_start3A] : memref<102400xf32, #tpu.memory_space<vmem_shared>> -> memref<102400xf32, #tpu.memory_space<vmem_shared>>
      tpu.enqueue_indirect_dma source(%dma_start3A_34 : memref<102400xf32, #tpu.memory_space<vmem_shared>>) target(%arg8 : memref<8192xf32, #tpu.memory_space<vmem>>) offsets(%arg6 : memref<8192xi32, #tpu.memory_space<vmem>>) semaphore(%arg12 : memref<!tpu.dma_semaphore, #tpu.memory_space<semaphore_mem>>)
      %dma_wait3A = arith.constant 0 : i32
      %dma_wait3A_35 = tpu.memref_slice %arg10[%dma_wait3A] : memref<102400xf32, #tpu.memory_space<vmem_shared>> -> memref<102400xf32, #tpu.memory_space<vmem_shared>>
      tpu.wait_indirect_dma semaphore(%arg12 : memref<!tpu.dma_semaphore, #tpu.memory_space<semaphore_mem>>) src(%dma_wait3A_35 : memref<102400xf32, #tpu.memory_space<vmem_shared>>) dst(%arg8 : memref<8192xf32, #tpu.memory_space<vmem>>)
      %scan3A_36 = arith.constant 0 : i32
      %scan3A_37 = arith.constant 0 : i32
      %scan3A_38 = arith.constant 64 : i32
      %scan3A_39 = arith.addi %scan3A_37, %scan3A_38 : i32
      %scan3A_40 = arith.constant 1 : i32
      %scan3A_41 = scf.for %scan3A_51 = %scan3A_37 to %scan3A_39 step %scan3A_40 iter_args(%scan3A_52 = %scan3A_36) -> (i32)  : i32 {
        %mul3A_53 = arith.constant 128 : i32
        %mul3A_54 = arith.muli %scan3A_51, %mul3A_53 : i32
        %multiple_of3A = tpu.assume_multiple %mul3A_54, 128 : i32
        %dma_start3A_55 = tpu.memref_slice %arg8[%multiple_of3A] : memref<8192xf32, #tpu.memory_space<vmem>> -> memref<128xf32, #tpu.memory_space<vmem>>
        %dma_start3A_56 = arith.constant 0 : i32
        %dma_start3A_57 = tpu.memref_slice %arg7[%scan3A_51, %dma_start3A_56] : memref<64x128xi32, #tpu.memory_space<vmem>> -> memref<1x128xi32, #tpu.memory_space<vmem>>
        %dma_start3A_58 = tpu.memref_squeeze %dma_start3A_57 : memref<1x128xi32, #tpu.memory_space<vmem>> -> memref<128xi32, #tpu.memory_space<vmem>>
        %dma_start3A_59 = arith.constant 0 : i32
        %dma_start3A_60 = tpu.memref_slice %arg11[%dma_start3A_59] : memref<102400xf32, #tpu.memory_space<vmem_shared>> -> memref<102400xf32, #tpu.memory_space<vmem_shared>>
        tpu.enqueue_indirect_dma source(%dma_start3A_55 : memref<128xf32, #tpu.memory_space<vmem>>) target(%dma_start3A_60 : memref<102400xf32, #tpu.memory_space<vmem_shared>>) offsets(%dma_start3A_58 : memref<128xi32, #tpu.memory_space<vmem>>) semaphore(%arg13 : memref<!tpu.dma_semaphore, #tpu.memory_space<semaphore_mem>>) {add = true}
        %scan3A_61 = arith.constant 0 : i32
        scf.yield %scan3A_61 : i32
      }
      %scan3A_42 = arith.constant 64 : i32
      %scan3A_43 = arith.constant 0 : i32
      %scan3A_44 = arith.constant 0 : i32
      %scan3A_45 = arith.constant 64 : i32
      %scan3A_46 = arith.addi %scan3A_44, %scan3A_45 : i32
      %scan3A_47 = arith.constant 1 : i32
      %scan3A_48 = scf.for %scan3A_51 = %scan3A_44 to %scan3A_46 step %scan3A_47 iter_args(%scan3A_52 = %scan3A_43) -> (i32)  : i32 {
        %dma_wait3A_53 = arith.constant 0 : i32
        %dma_wait3A_54 = arith.constant 0 : i32
        %dma_wait3A_55 = tpu.memref_slice %arg8[%dma_wait3A_54] : memref<8192xf32, #tpu.memory_space<vmem>> -> memref<128xf32, #tpu.memory_space<vmem>>
        %dma_wait3A_56 = arith.constant 0 : i32
        %dma_wait3A_57 = tpu.memref_slice %arg7[%dma_wait3A_53, %dma_wait3A_56] : memref<64x128xi32, #tpu.memory_space<vmem>> -> memref<1x128xi32, #tpu.memory_space<vmem>>
        %dma_wait3A_58 = tpu.memref_squeeze %dma_wait3A_57 : memref<1x128xi32, #tpu.memory_space<vmem>> -> memref<128xi32, #tpu.memory_space<vmem>>
        %dma_wait3A_59 = arith.constant 0 : i32
        %dma_wait3A_60 = tpu.memref_slice %arg11[%dma_wait3A_59] : memref<102400xf32, #tpu.memory_space<vmem_shared>> -> memref<102400xf32, #tpu.memory_space<vmem_shared>>
        tpu.wait_indirect_dma semaphore(%arg13 : memref<!tpu.dma_semaphore, #tpu.memory_space<semaphore_mem>>) src(%dma_wait3A_55 : memref<128xf32, #tpu.memory_space<vmem>>) dst(%dma_wait3A_60 : memref<102400xf32, #tpu.memory_space<vmem_shared>>)
        %scan3A_61 = arith.constant 0 : i32
        scf.yield %scan3A_61 : i32
      }
      %scan3A_49 = arith.constant 64 : i32
      %scan3A_50 = arith.constant 0 : i32
      scf.yield %scan3A_50 : i32
    }
    %scan3A_18 = arith.constant 25 : i32
    %barrier3A_19 = arith.constant 0 : index
    tpu.barrier barrier_id(%barrier3A_19)
    "tpu.region"() ({
      %run_scoped3A = tpu.sem_alloc : memref<!tpu.dma_semaphore, #tpu.memory_space<semaphore_mem>>
      %dma_start3A = tpu.memref_slice %arg11[%mul3A_2] : memref<102400xf32, #tpu.memory_space<vmem_shared>> -> memref<6400xf32, #tpu.memory_space<vmem_shared>>
      %dma_start3A_25 = tpu.memref_slice %arg11[%mul3A_2] : memref<102400xf32, #tpu.memory_space<vmem_shared>> -> memref<6400xf32, #tpu.memory_space<vmem_shared>>
      tpu.enqueue_dma source(%dma_start3A_25 : memref<6400xf32, #tpu.memory_space<vmem_shared>>) target(%arg9 : memref<6400xf32, #tpu.memory_space<vmem>>) target_semaphore(%run_scoped3A : memref<!tpu.dma_semaphore, #tpu.memory_space<semaphore_mem>>)
      %dma_wait3A = tpu.memref_slice %arg11[%mul3A_2] : memref<102400xf32, #tpu.memory_space<vmem_shared>> -> memref<6400xf32, #tpu.memory_space<vmem_shared>>
      %dma_wait3A_26 = tpu.memref_slice %arg11[%mul3A_2] : memref<102400xf32, #tpu.memory_space<vmem_shared>> -> memref<6400xf32, #tpu.memory_space<vmem_shared>>
      tpu.wait_dma2 semaphore(%run_scoped3A : memref<!tpu.dma_semaphore, #tpu.memory_space<semaphore_mem>>) src(%dma_wait3A_26 : memref<6400xf32, #tpu.memory_space<vmem_shared>>) dst(%arg9 : memref<6400xf32, #tpu.memory_space<vmem>>)
      tpu.yield
    }) : () -> ()
    %mul3A_20 = arith.constant 102400 : i32
    %mul3A_21 = arith.muli %arg0, %mul3A_20 : i32
    %mul3A_22 = arith.constant 6400 : i32
    %mul3A_23 = arith.muli %arg1, %mul3A_22 : i32
    %add3A_24 = arith.addi %mul3A_21, %mul3A_23 : i32
    "tpu.region"() ({
      %run_scoped3A = tpu.sem_alloc : memref<!tpu.dma_semaphore, #tpu.memory_space<semaphore_mem>>
      %dma_start3A = tpu.memref_slice %arg5[%add3A_24] : memref<204800xf32, #tpu.memory_space<hbm>> -> memref<6400xf32, #tpu.memory_space<hbm>>
      %dma_start3A_25 = tpu.memref_slice %arg5[%add3A_24] : memref<204800xf32, #tpu.memory_space<hbm>> -> memref<6400xf32, #tpu.memory_space<hbm>>
      tpu.enqueue_dma source(%arg9 : memref<6400xf32, #tpu.memory_space<vmem>>) target(%dma_start3A_25 : memref<6400xf32, #tpu.memory_space<hbm>>) target_semaphore(%run_scoped3A : memref<!tpu.dma_semaphore, #tpu.memory_space<semaphore_mem>>)
      %dma_wait3A = tpu.memref_slice %arg5[%add3A_24] : memref<204800xf32, #tpu.memory_space<hbm>> -> memref<6400xf32, #tpu.memory_space<hbm>>
      %dma_wait3A_26 = tpu.memref_slice %arg5[%add3A_24] : memref<204800xf32, #tpu.memory_space<hbm>> -> memref<6400xf32, #tpu.memory_space<hbm>>
      tpu.wait_dma2 semaphore(%run_scoped3A : memref<!tpu.dma_semaphore, #tpu.memory_space<semaphore_mem>>) src(%arg9 : memref<6400xf32, #tpu.memory_space<vmem>>) dst(%dma_wait3A_26 : memref<6400xf32, #tpu.memory_space<hbm>>)
      tpu.yield
    }) : () -> ()
    return
  }
}

#map = affine_map<(d0, d1) -> (0)>
#map1 = affine_map<(d0, d1) -> (0, 0)>
module attributes {stable_mosaic.version = 14 : i64} {
  func.func @_sc_agg3(%arg0: i32, %arg1: i32, %arg2: memref<6553600xi32, #tpu.memory_space<hbm>>, %arg3: memref<51200x128xi32, #tpu.memory_space<hbm>>, %arg4: memref<307200xf32, #tpu.memory_space<hbm>>, %arg5: memref<614400xf32, #tpu.memory_space<hbm>>, %arg6: memref<8192xi32, #tpu.memory_space<vmem>>, %arg7: memref<64x128xi32, #tpu.memory_space<vmem>>, %arg8: memref<8192xf32, #tpu.memory_space<vmem>>, %arg9: memref<8192xf32, #tpu.memory_space<vmem>>, %arg10: memref<8192xf32, #tpu.memory_space<vmem>>, %arg11: memref<6400xf32, #tpu.memory_space<vmem>>, %arg12: memref<102400xf32, #tpu.memory_space<vmem_shared>>, %arg13: memref<102400xf32, #tpu.memory_space<vmem_shared>>, %arg14: memref<102400xf32, #tpu.memory_space<vmem_shared>>, %arg15: memref<102400xf32, #tpu.memory_space<vmem_shared>>, %arg16: memref<102400xf32, #tpu.memory_space<vmem_shared>>, %arg17: memref<102400xf32, #tpu.memory_space<vmem_shared>>, %arg18: memref<!tpu.dma_semaphore, #tpu.memory_space<semaphore_mem>>, %arg19: memref<!tpu.dma_semaphore, #tpu.memory_space<semaphore_mem>>) attributes {dimension_semantics = [#tpu.dimension_semantics<core_parallel>, #tpu.dimension_semantics<subcore_parallel>], iteration_bounds = array<i64: 2, 16>, scalar_prefetch = 0 : i64, scratch_operands = 14 : i64, tpu.core_type = #tpu.core_type<sc_vector_subcore>, window_params = [{transform_indices = #map}, {transform_indices = #map1}, {transform_indices = #map}, {transform_indices = #map}]} {
    %mul3A = arith.constant 16 : i32
    %mul3A_0 = arith.muli %arg0, %mul3A : i32
    %add3A = arith.addi %mul3A_0, %arg1 : i32
    %mul3A_1 = arith.constant 6400 : i32
    %mul3A_2 = arith.muli %arg1, %mul3A_1 : i32
    %broadcast_in_dim3A = arith.constant 0.000000e+00 : f32
    %broadcast_in_dim3A_3 = vector.broadcast %broadcast_in_dim3A : f32 to vector<16xf32>
    %scan3A = arith.constant 0 : i32
    %scan3A_4 = arith.constant 0 : i32
    %scan3A_5 = arith.constant 400 : i32
    %scan3A_6 = arith.addi %scan3A_4, %scan3A_5 : i32
    %scan3A_7 = arith.constant 1 : i32
    %scan3A_8 = scf.for %scan3A_57 = %scan3A_4 to %scan3A_6 step %scan3A_7 iter_args(%scan3A_58 = %scan3A) -> (i32)  : i32 {
      %mul3A_59 = arith.constant 16 : i32
      %mul3A_60 = arith.muli %scan3A_57, %mul3A_59 : i32
      %swap3A = arith.index_cast %mul3A_60 : i32 to index
      %swap3A_61 = tpu.vector_load %arg11[%swap3A] {strides = array<i32>} : memref<6400xf32, #tpu.memory_space<vmem>>, vector<16xf32>,
      %swap3A_62 = vector.shape_cast %swap3A_61 : vector<16xf32> to vector<16xf32>
      %swap3A_63 = vector.shape_cast %broadcast_in_dim3A_3 : vector<16xf32> to vector<16xf32>
      tpu.vector_store %arg11[%swap3A], %swap3A_63 {strides = array<i32>} : memref<6400xf32, #tpu.memory_space<vmem>>, vector<16xf32>,
      %scan3A_64 = arith.constant 0 : i32
      scf.yield %scan3A_64 : i32
    }
    %scan3A_9 = arith.constant 400 : i32
    "tpu.region"() ({
      %run_scoped3A = tpu.sem_alloc : memref<!tpu.dma_semaphore, #tpu.memory_space<semaphore_mem>>
      %dma_start3A = tpu.memref_slice %arg15[%mul3A_2] : memref<102400xf32, #tpu.memory_space<vmem_shared>> -> memref<6400xf32, #tpu.memory_space<vmem_shared>>
      %dma_start3A_57 = tpu.memref_slice %arg15[%mul3A_2] : memref<102400xf32, #tpu.memory_space<vmem_shared>> -> memref<6400xf32, #tpu.memory_space<vmem_shared>>
      tpu.enqueue_dma source(%arg11 : memref<6400xf32, #tpu.memory_space<vmem>>) target(%dma_start3A_57 : memref<6400xf32, #tpu.memory_space<vmem_shared>>) target_semaphore(%run_scoped3A : memref<!tpu.dma_semaphore, #tpu.memory_space<semaphore_mem>>)
      %dma_wait3A = tpu.memref_slice %arg15[%mul3A_2] : memref<102400xf32, #tpu.memory_space<vmem_shared>> -> memref<6400xf32, #tpu.memory_space<vmem_shared>>
      %dma_wait3A_58 = tpu.memref_slice %arg15[%mul3A_2] : memref<102400xf32, #tpu.memory_space<vmem_shared>> -> memref<6400xf32, #tpu.memory_space<vmem_shared>>
      tpu.wait_dma2 semaphore(%run_scoped3A : memref<!tpu.dma_semaphore, #tpu.memory_space<semaphore_mem>>) src(%arg11 : memref<6400xf32, #tpu.memory_space<vmem>>) dst(%dma_wait3A_58 : memref<6400xf32, #tpu.memory_space<vmem_shared>>)
      tpu.yield
    }) : () -> ()
    "tpu.region"() ({
      %run_scoped3A = tpu.sem_alloc : memref<!tpu.dma_semaphore, #tpu.memory_space<semaphore_mem>>
      %dma_start3A = tpu.memref_slice %arg16[%mul3A_2] : memref<102400xf32, #tpu.memory_space<vmem_shared>> -> memref<6400xf32, #tpu.memory_space<vmem_shared>>
      %dma_start3A_57 = tpu.memref_slice %arg16[%mul3A_2] : memref<102400xf32, #tpu.memory_space<vmem_shared>> -> memref<6400xf32, #tpu.memory_space<vmem_shared>>
      tpu.enqueue_dma source(%arg11 : memref<6400xf32, #tpu.memory_space<vmem>>) target(%dma_start3A_57 : memref<6400xf32, #tpu.memory_space<vmem_shared>>) target_semaphore(%run_scoped3A : memref<!tpu.dma_semaphore, #tpu.memory_space<semaphore_mem>>)
      %dma_wait3A = tpu.memref_slice %arg16[%mul3A_2] : memref<102400xf32, #tpu.memory_space<vmem_shared>> -> memref<6400xf32, #tpu.memory_space<vmem_shared>>
      %dma_wait3A_58 = tpu.memref_slice %arg16[%mul3A_2] : memref<102400xf32, #tpu.memory_space<vmem_shared>> -> memref<6400xf32, #tpu.memory_space<vmem_shared>>
      tpu.wait_dma2 semaphore(%run_scoped3A : memref<!tpu.dma_semaphore, #tpu.memory_space<semaphore_mem>>) src(%arg11 : memref<6400xf32, #tpu.memory_space<vmem>>) dst(%dma_wait3A_58 : memref<6400xf32, #tpu.memory_space<vmem_shared>>)
      tpu.yield
    }) : () -> ()
    "tpu.region"() ({
      %run_scoped3A = tpu.sem_alloc : memref<!tpu.dma_semaphore, #tpu.memory_space<semaphore_mem>>
      %dma_start3A = tpu.memref_slice %arg17[%mul3A_2] : memref<102400xf32, #tpu.memory_space<vmem_shared>> -> memref<6400xf32, #tpu.memory_space<vmem_shared>>
      %dma_start3A_57 = tpu.memref_slice %arg17[%mul3A_2] : memref<102400xf32, #tpu.memory_space<vmem_shared>> -> memref<6400xf32, #tpu.memory_space<vmem_shared>>
      tpu.enqueue_dma source(%arg11 : memref<6400xf32, #tpu.memory_space<vmem>>) target(%dma_start3A_57 : memref<6400xf32, #tpu.memory_space<vmem_shared>>) target_semaphore(%run_scoped3A : memref<!tpu.dma_semaphore, #tpu.memory_space<semaphore_mem>>)
      %dma_wait3A = tpu.memref_slice %arg17[%mul3A_2] : memref<102400xf32, #tpu.memory_space<vmem_shared>> -> memref<6400xf32, #tpu.memory_space<vmem_shared>>
      %dma_wait3A_58 = tpu.memref_slice %arg17[%mul3A_2] : memref<102400xf32, #tpu.memory_space<vmem_shared>> -> memref<6400xf32, #tpu.memory_space<vmem_shared>>
      tpu.wait_dma2 semaphore(%run_scoped3A : memref<!tpu.dma_semaphore, #tpu.memory_space<semaphore_mem>>) src(%arg11 : memref<6400xf32, #tpu.memory_space<vmem>>) dst(%dma_wait3A_58 : memref<6400xf32, #tpu.memory_space<vmem_shared>>)
      tpu.yield
    }) : () -> ()
    %mul3A_10 = arith.constant 6400 : i32
    %mul3A_11 = arith.muli %arg1, %mul3A_10 : i32
    %add3A_12 = arith.constant 0 : i32
    %add3A_13 = arith.addi %add3A_12, %mul3A_11 : i32
    "tpu.region"() ({
      %run_scoped3A = tpu.sem_alloc : memref<!tpu.dma_semaphore, #tpu.memory_space<semaphore_mem>>
      %dma_start3A = tpu.memref_slice %arg4[%add3A_13] : memref<307200xf32, #tpu.memory_space<hbm>> -> memref<6400xf32, #tpu.memory_space<hbm>>
      %dma_start3A_57 = tpu.memref_slice %arg4[%add3A_13] : memref<307200xf32, #tpu.memory_space<hbm>> -> memref<6400xf32, #tpu.memory_space<hbm>>
      tpu.enqueue_dma source(%dma_start3A_57 : memref<6400xf32, #tpu.memory_space<hbm>>) target(%arg11 : memref<6400xf32, #tpu.memory_space<vmem>>) target_semaphore(%run_scoped3A : memref<!tpu.dma_semaphore, #tpu.memory_space<semaphore_mem>>)
      %dma_wait3A = tpu.memref_slice %arg4[%add3A_13] : memref<307200xf32, #tpu.memory_space<hbm>> -> memref<6400xf32, #tpu.memory_space<hbm>>
      %dma_wait3A_58 = tpu.memref_slice %arg4[%add3A_13] : memref<307200xf32, #tpu.memory_space<hbm>> -> memref<6400xf32, #tpu.memory_space<hbm>>
      tpu.wait_dma2 semaphore(%run_scoped3A : memref<!tpu.dma_semaphore, #tpu.memory_space<semaphore_mem>>) src(%dma_wait3A_58 : memref<6400xf32, #tpu.memory_space<hbm>>) dst(%arg11 : memref<6400xf32, #tpu.memory_space<vmem>>)
      tpu.yield
    }) : () -> ()
    "tpu.region"() ({
      %run_scoped3A = tpu.sem_alloc : memref<!tpu.dma_semaphore, #tpu.memory_space<semaphore_mem>>
      %dma_start3A = tpu.memref_slice %arg12[%mul3A_2] : memref<102400xf32, #tpu.memory_space<vmem_shared>> -> memref<6400xf32, #tpu.memory_space<vmem_shared>>
      %dma_start3A_57 = tpu.memref_slice %arg12[%mul3A_2] : memref<102400xf32, #tpu.memory_space<vmem_shared>> -> memref<6400xf32, #tpu.memory_space<vmem_shared>>
      tpu.enqueue_dma source(%arg11 : memref<6400xf32, #tpu.memory_space<vmem>>) target(%dma_start3A_57 : memref<6400xf32, #tpu.memory_space<vmem_shared>>) target_semaphore(%run_scoped3A : memref<!tpu.dma_semaphore, #tpu.memory_space<semaphore_mem>>)
      %dma_wait3A = tpu.memref_slice %arg12[%mul3A_2] : memref<102400xf32, #tpu.memory_space<vmem_shared>> -> memref<6400xf32, #tpu.memory_space<vmem_shared>>
      %dma_wait3A_58 = tpu.memref_slice %arg12[%mul3A_2] : memref<102400xf32, #tpu.memory_space<vmem_shared>> -> memref<6400xf32, #tpu.memory_space<vmem_shared>>
      tpu.wait_dma2 semaphore(%run_scoped3A : memref<!tpu.dma_semaphore, #tpu.memory_space<semaphore_mem>>) src(%arg11 : memref<6400xf32, #tpu.memory_space<vmem>>) dst(%dma_wait3A_58 : memref<6400xf32, #tpu.memory_space<vmem_shared>>)
      tpu.yield
    }) : () -> ()
    %mul3A_14 = arith.constant 6400 : i32
    %mul3A_15 = arith.muli %arg1, %mul3A_14 : i32
    %add3A_16 = arith.constant 102400 : i32
    %add3A_17 = arith.addi %add3A_16, %mul3A_15 : i32
    "tpu.region"() ({
      %run_scoped3A = tpu.sem_alloc : memref<!tpu.dma_semaphore, #tpu.memory_space<semaphore_mem>>
      %dma_start3A = tpu.memref_slice %arg4[%add3A_17] : memref<307200xf32, #tpu.memory_space<hbm>> -> memref<6400xf32, #tpu.memory_space<hbm>>
      %dma_start3A_57 = tpu.memref_slice %arg4[%add3A_17] : memref<307200xf32, #tpu.memory_space<hbm>> -> memref<6400xf32, #tpu.memory_space<hbm>>
      tpu.enqueue_dma source(%dma_start3A_57 : memref<6400xf32, #tpu.memory_space<hbm>>) target(%arg11 : memref<6400xf32, #tpu.memory_space<vmem>>) target_semaphore(%run_scoped3A : memref<!tpu.dma_semaphore, #tpu.memory_space<semaphore_mem>>)
      %dma_wait3A = tpu.memref_slice %arg4[%add3A_17] : memref<307200xf32, #tpu.memory_space<hbm>> -> memref<6400xf32, #tpu.memory_space<hbm>>
      %dma_wait3A_58 = tpu.memref_slice %arg4[%add3A_17] : memref<307200xf32, #tpu.memory_space<hbm>> -> memref<6400xf32, #tpu.memory_space<hbm>>
      tpu.wait_dma2 semaphore(%run_scoped3A : memref<!tpu.dma_semaphore, #tpu.memory_space<semaphore_mem>>) src(%dma_wait3A_58 : memref<6400xf32, #tpu.memory_space<hbm>>) dst(%arg11 : memref<6400xf32, #tpu.memory_space<vmem>>)
      tpu.yield
    }) : () -> ()
    "tpu.region"() ({
      %run_scoped3A = tpu.sem_alloc : memref<!tpu.dma_semaphore, #tpu.memory_space<semaphore_mem>>
      %dma_start3A = tpu.memref_slice %arg13[%mul3A_2] : memref<102400xf32, #tpu.memory_space<vmem_shared>> -> memref<6400xf32, #tpu.memory_space<vmem_shared>>
      %dma_start3A_57 = tpu.memref_slice %arg13[%mul3A_2] : memref<102400xf32, #tpu.memory_space<vmem_shared>> -> memref<6400xf32, #tpu.memory_space<vmem_shared>>
      tpu.enqueue_dma source(%arg11 : memref<6400xf32, #tpu.memory_space<vmem>>) target(%dma_start3A_57 : memref<6400xf32, #tpu.memory_space<vmem_shared>>) target_semaphore(%run_scoped3A : memref<!tpu.dma_semaphore, #tpu.memory_space<semaphore_mem>>)
      %dma_wait3A = tpu.memref_slice %arg13[%mul3A_2] : memref<102400xf32, #tpu.memory_space<vmem_shared>> -> memref<6400xf32, #tpu.memory_space<vmem_shared>>
      %dma_wait3A_58 = tpu.memref_slice %arg13[%mul3A_2] : memref<102400xf32, #tpu.memory_space<vmem_shared>> -> memref<6400xf32, #tpu.memory_space<vmem_shared>>
      tpu.wait_dma2 semaphore(%run_scoped3A : memref<!tpu.dma_semaphore, #tpu.memory_space<semaphore_mem>>) src(%arg11 : memref<6400xf32, #tpu.memory_space<vmem>>) dst(%dma_wait3A_58 : memref<6400xf32, #tpu.memory_space<vmem_shared>>)
      tpu.yield
    }) : () -> ()
    %mul3A_18 = arith.constant 6400 : i32
    %mul3A_19 = arith.muli %arg1, %mul3A_18 : i32
    %add3A_20 = arith.constant 204800 : i32
    %add3A_21 = arith.addi %add3A_20, %mul3A_19 : i32
    "tpu.region"() ({
      %run_scoped3A = tpu.sem_alloc : memref<!tpu.dma_semaphore, #tpu.memory_space<semaphore_mem>>
      %dma_start3A = tpu.memref_slice %arg4[%add3A_21] : memref<307200xf32, #tpu.memory_space<hbm>> -> memref<6400xf32, #tpu.memory_space<hbm>>
      %dma_start3A_57 = tpu.memref_slice %arg4[%add3A_21] : memref<307200xf32, #tpu.memory_space<hbm>> -> memref<6400xf32, #tpu.memory_space<hbm>>
      tpu.enqueue_dma source(%dma_start3A_57 : memref<6400xf32, #tpu.memory_space<hbm>>) target(%arg11 : memref<6400xf32, #tpu.memory_space<vmem>>) target_semaphore(%run_scoped3A : memref<!tpu.dma_semaphore, #tpu.memory_space<semaphore_mem>>)
      %dma_wait3A = tpu.memref_slice %arg4[%add3A_21] : memref<307200xf32, #tpu.memory_space<hbm>> -> memref<6400xf32, #tpu.memory_space<hbm>>
      %dma_wait3A_58 = tpu.memref_slice %arg4[%add3A_21] : memref<307200xf32, #tpu.memory_space<hbm>> -> memref<6400xf32, #tpu.memory_space<hbm>>
      tpu.wait_dma2 semaphore(%run_scoped3A : memref<!tpu.dma_semaphore, #tpu.memory_space<semaphore_mem>>) src(%dma_wait3A_58 : memref<6400xf32, #tpu.memory_space<hbm>>) dst(%arg11 : memref<6400xf32, #tpu.memory_space<vmem>>)
      tpu.yield
    }) : () -> ()
    "tpu.region"() ({
      %run_scoped3A = tpu.sem_alloc : memref<!tpu.dma_semaphore, #tpu.memory_space<semaphore_mem>>
      %dma_start3A = tpu.memref_slice %arg14[%mul3A_2] : memref<102400xf32, #tpu.memory_space<vmem_shared>> -> memref<6400xf32, #tpu.memory_space<vmem_shared>>
      %dma_start3A_57 = tpu.memref_slice %arg14[%mul3A_2] : memref<102400xf32, #tpu.memory_space<vmem_shared>> -> memref<6400xf32, #tpu.memory_space<vmem_shared>>
      tpu.enqueue_dma source(%arg11 : memref<6400xf32, #tpu.memory_space<vmem>>) target(%dma_start3A_57 : memref<6400xf32, #tpu.memory_space<vmem_shared>>) target_semaphore(%run_scoped3A : memref<!tpu.dma_semaphore, #tpu.memory_space<semaphore_mem>>)
      %dma_wait3A = tpu.memref_slice %arg14[%mul3A_2] : memref<102400xf32, #tpu.memory_space<vmem_shared>> -> memref<6400xf32, #tpu.memory_space<vmem_shared>>
      %dma_wait3A_58 = tpu.memref_slice %arg14[%mul3A_2] : memref<102400xf32, #tpu.memory_space<vmem_shared>> -> memref<6400xf32, #tpu.memory_space<vmem_shared>>
      tpu.wait_dma2 semaphore(%run_scoped3A : memref<!tpu.dma_semaphore, #tpu.memory_space<semaphore_mem>>) src(%arg11 : memref<6400xf32, #tpu.memory_space<vmem>>) dst(%dma_wait3A_58 : memref<6400xf32, #tpu.memory_space<vmem_shared>>)
      tpu.yield
    }) : () -> ()
    %barrier3A = arith.constant 0 : index
    tpu.barrier barrier_id(%barrier3A)
    %scan3A_22 = arith.constant 0 : i32
    %scan3A_23 = arith.constant 0 : i32
    %scan3A_24 = arith.constant 25 : i32
    %scan3A_25 = arith.addi %scan3A_23, %scan3A_24 : i32
    %scan3A_26 = arith.constant 1 : i32
    %scan3A_27 = scf.for %scan3A_57 = %scan3A_23 to %scan3A_25 step %scan3A_26 iter_args(%scan3A_58 = %scan3A_22) -> (i32)  : i32 {
      %mul3A_59 = arith.constant 1600 : i32
      %mul3A_60 = arith.muli %add3A, %mul3A_59 : i32
      %mul3A_61 = arith.constant 64 : i32
      %mul3A_62 = arith.muli %scan3A_57, %mul3A_61 : i32
      %add3A_63 = arith.addi %mul3A_60, %mul3A_62 : i32
      %mul3A_64 = arith.constant 128 : i32
      %mul3A_65 = arith.muli %add3A_63, %mul3A_64 : i32
      "tpu.region"() ({
        %run_scoped3A = tpu.sem_alloc : memref<!tpu.dma_semaphore, #tpu.memory_space<semaphore_mem>>
        %dma_start3A_91 = tpu.memref_slice %arg2[%mul3A_65] : memref<6553600xi32, #tpu.memory_space<hbm>> -> memref<8192xi32, #tpu.memory_space<hbm>>
        %dma_start3A_92 = tpu.memref_slice %arg2[%mul3A_65] : memref<6553600xi32, #tpu.memory_space<hbm>> -> memref<8192xi32, #tpu.memory_space<hbm>>
        tpu.enqueue_dma source(%dma_start3A_92 : memref<8192xi32, #tpu.memory_space<hbm>>) target(%arg6 : memref<8192xi32, #tpu.memory_space<vmem>>) target_semaphore(%run_scoped3A : memref<!tpu.dma_semaphore, #tpu.memory_space<semaphore_mem>>)
        %dma_wait3A_93 = tpu.memref_slice %arg2[%mul3A_65] : memref<6553600xi32, #tpu.memory_space<hbm>> -> memref<8192xi32, #tpu.memory_space<hbm>>
        %dma_wait3A_94 = tpu.memref_slice %arg2[%mul3A_65] : memref<6553600xi32, #tpu.memory_space<hbm>> -> memref<8192xi32, #tpu.memory_space<hbm>>
        tpu.wait_dma2 semaphore(%run_scoped3A : memref<!tpu.dma_semaphore, #tpu.memory_space<semaphore_mem>>) src(%dma_wait3A_94 : memref<8192xi32, #tpu.memory_space<hbm>>) dst(%arg6 : memref<8192xi32, #tpu.memory_space<vmem>>)
        tpu.yield
      }) : () -> ()
      "tpu.region"() ({
        %run_scoped3A = tpu.sem_alloc : memref<!tpu.dma_semaphore, #tpu.memory_space<semaphore_mem>>
        %dma_start3A_91 = arith.constant 0 : i32
        %dma_start3A_92 = tpu.memref_slice %arg3[%add3A_63, %dma_start3A_91] : memref<51200x128xi32, #tpu.memory_space<hbm>> -> memref<64x128xi32, #tpu.memory_space<hbm>>
        %dma_start3A_93 = arith.constant 0 : i32
        %dma_start3A_94 = tpu.memref_slice %arg3[%add3A_63, %dma_start3A_93] : memref<51200x128xi32, #tpu.memory_space<hbm>> -> memref<64x128xi32, #tpu.memory_space<hbm>>
        tpu.enqueue_dma source(%dma_start3A_94 : memref<64x128xi32, #tpu.memory_space<hbm>>) target(%arg7 : memref<64x128xi32, #tpu.memory_space<vmem>>) target_semaphore(%run_scoped3A : memref<!tpu.dma_semaphore, #tpu.memory_space<semaphore_mem>>)
        %dma_wait3A_95 = arith.constant 0 : i32
        %dma_wait3A_96 = tpu.memref_slice %arg3[%add3A_63, %dma_wait3A_95] : memref<51200x128xi32, #tpu.memory_space<hbm>> -> memref<64x128xi32, #tpu.memory_space<hbm>>
        %dma_wait3A_97 = arith.constant 0 : i32
        %dma_wait3A_98 = tpu.memref_slice %arg3[%add3A_63, %dma_wait3A_97] : memref<51200x128xi32, #tpu.memory_space<hbm>> -> memref<64x128xi32, #tpu.memory_space<hbm>>
        tpu.wait_dma2 semaphore(%run_scoped3A : memref<!tpu.dma_semaphore, #tpu.memory_space<semaphore_mem>>) src(%dma_wait3A_98 : memref<64x128xi32, #tpu.memory_space<hbm>>) dst(%arg7 : memref<64x128xi32, #tpu.memory_space<vmem>>)
        tpu.yield
      }) : () -> ()
      %dma_start3A = arith.constant 0 : i32
      %dma_start3A_66 = tpu.memref_slice %arg12[%dma_start3A] : memref<102400xf32, #tpu.memory_space<vmem_shared>> -> memref<102400xf32, #tpu.memory_space<vmem_shared>>
      tpu.enqueue_indirect_dma source(%dma_start3A_66 : memref<102400xf32, #tpu.memory_space<vmem_shared>>) target(%arg8 : memref<8192xf32, #tpu.memory_space<vmem>>) offsets(%arg6 : memref<8192xi32, #tpu.memory_space<vmem>>) semaphore(%arg18 : memref<!tpu.dma_semaphore, #tpu.memory_space<semaphore_mem>>)
      %dma_start3A_67 = arith.constant 0 : i32
      %dma_start3A_68 = tpu.memref_slice %arg13[%dma_start3A_67] : memref<102400xf32, #tpu.memory_space<vmem_shared>> -> memref<102400xf32, #tpu.memory_space<vmem_shared>>
      tpu.enqueue_indirect_dma source(%dma_start3A_68 : memref<102400xf32, #tpu.memory_space<vmem_shared>>) target(%arg9 : memref<8192xf32, #tpu.memory_space<vmem>>) offsets(%arg6 : memref<8192xi32, #tpu.memory_space<vmem>>) semaphore(%arg18 : memref<!tpu.dma_semaphore, #tpu.memory_space<semaphore_mem>>)
      %dma_start3A_69 = arith.constant 0 : i32
      %dma_start3A_70 = tpu.memref_slice %arg14[%dma_start3A_69] : memref<102400xf32, #tpu.memory_space<vmem_shared>> -> memref<102400xf32, #tpu.memory_space<vmem_shared>>
      tpu.enqueue_indirect_dma source(%dma_start3A_70 : memref<102400xf32, #tpu.memory_space<vmem_shared>>) target(%arg10 : memref<8192xf32, #tpu.memory_space<vmem>>) offsets(%arg6 : memref<8192xi32, #tpu.memory_space<vmem>>) semaphore(%arg18 : memref<!tpu.dma_semaphore, #tpu.memory_space<semaphore_mem>>)
      %dma_wait3A = arith.constant 0 : i32
      %dma_wait3A_71 = tpu.memref_slice %arg12[%dma_wait3A] : memref<102400xf32, #tpu.memory_space<vmem_shared>> -> memref<102400xf32, #tpu.memory_space<vmem_shared>>
      tpu.wait_indirect_dma semaphore(%arg18 : memref<!tpu.dma_semaphore, #tpu.memory_space<semaphore_mem>>) src(%dma_wait3A_71 : memref<102400xf32, #tpu.memory_space<vmem_shared>>) dst(%arg8 : memref<8192xf32, #tpu.memory_space<vmem>>)
      %dma_wait3A_72 = arith.constant 0 : i32
      %dma_wait3A_73 = tpu.memref_slice %arg13[%dma_wait3A_72] : memref<102400xf32, #tpu.memory_space<vmem_shared>> -> memref<102400xf32, #tpu.memory_space<vmem_shared>>
      tpu.wait_indirect_dma semaphore(%arg18 : memref<!tpu.dma_semaphore, #tpu.memory_space<semaphore_mem>>) src(%dma_wait3A_73 : memref<102400xf32, #tpu.memory_space<vmem_shared>>) dst(%arg9 : memref<8192xf32, #tpu.memory_space<vmem>>)
      %dma_wait3A_74 = arith.constant 0 : i32
      %dma_wait3A_75 = tpu.memref_slice %arg14[%dma_wait3A_74] : memref<102400xf32, #tpu.memory_space<vmem_shared>> -> memref<102400xf32, #tpu.memory_space<vmem_shared>>
      tpu.wait_indirect_dma semaphore(%arg18 : memref<!tpu.dma_semaphore, #tpu.memory_space<semaphore_mem>>) src(%dma_wait3A_75 : memref<102400xf32, #tpu.memory_space<vmem_shared>>) dst(%arg10 : memref<8192xf32, #tpu.memory_space<vmem>>)
      %scan3A_76 = arith.constant 0 : i32
      %scan3A_77 = arith.constant 0 : i32
      %scan3A_78 = arith.constant 64 : i32
      %scan3A_79 = arith.addi %scan3A_77, %scan3A_78 : i32
      %scan3A_80 = arith.constant 1 : i32
      %scan3A_81 = scf.for %scan3A_91 = %scan3A_77 to %scan3A_79 step %scan3A_80 iter_args(%scan3A_92 = %scan3A_76) -> (i32)  : i32 {
        %mul3A_93 = arith.constant 128 : i32
        %mul3A_94 = arith.muli %scan3A_91, %mul3A_93 : i32
        %multiple_of3A = tpu.assume_multiple %mul3A_94, 128 : i32
        %dma_start3A_95 = tpu.memref_slice %arg8[%multiple_of3A] : memref<8192xf32, #tpu.memory_space<vmem>> -> memref<128xf32, #tpu.memory_space<vmem>>
        %dma_start3A_96 = arith.constant 0 : i32
        %dma_start3A_97 = tpu.memref_slice %arg7[%scan3A_91, %dma_start3A_96] : memref<64x128xi32, #tpu.memory_space<vmem>> -> memref<1x128xi32, #tpu.memory_space<vmem>>
        %dma_start3A_98 = tpu.memref_squeeze %dma_start3A_97 : memref<1x128xi32, #tpu.memory_space<vmem>> -> memref<128xi32, #tpu.memory_space<vmem>>
        %dma_start3A_99 = arith.constant 0 : i32
        %dma_start3A_100 = tpu.memref_slice %arg15[%dma_start3A_99] : memref<102400xf32, #tpu.memory_space<vmem_shared>> -> memref<102400xf32, #tpu.memory_space<vmem_shared>>
        tpu.enqueue_indirect_dma source(%dma_start3A_95 : memref<128xf32, #tpu.memory_space<vmem>>) target(%dma_start3A_100 : memref<102400xf32, #tpu.memory_space<vmem_shared>>) offsets(%dma_start3A_98 : memref<128xi32, #tpu.memory_space<vmem>>) semaphore(%arg19 : memref<!tpu.dma_semaphore, #tpu.memory_space<semaphore_mem>>) {add = true}
        %dma_start3A_101 = tpu.memref_slice %arg9[%multiple_of3A] : memref<8192xf32, #tpu.memory_space<vmem>> -> memref<128xf32, #tpu.memory_space<vmem>>
        %dma_start3A_102 = arith.constant 0 : i32
        %dma_start3A_103 = tpu.memref_slice %arg7[%scan3A_91, %dma_start3A_102] : memref<64x128xi32, #tpu.memory_space<vmem>> -> memref<1x128xi32, #tpu.memory_space<vmem>>
        %dma_start3A_104 = tpu.memref_squeeze %dma_start3A_103 : memref<1x128xi32, #tpu.memory_space<vmem>> -> memref<128xi32, #tpu.memory_space<vmem>>
        %dma_start3A_105 = arith.constant 0 : i32
        %dma_start3A_106 = tpu.memref_slice %arg16[%dma_start3A_105] : memref<102400xf32, #tpu.memory_space<vmem_shared>> -> memref<102400xf32, #tpu.memory_space<vmem_shared>>
        tpu.enqueue_indirect_dma source(%dma_start3A_101 : memref<128xf32, #tpu.memory_space<vmem>>) target(%dma_start3A_106 : memref<102400xf32, #tpu.memory_space<vmem_shared>>) offsets(%dma_start3A_104 : memref<128xi32, #tpu.memory_space<vmem>>) semaphore(%arg19 : memref<!tpu.dma_semaphore, #tpu.memory_space<semaphore_mem>>) {add = true}
        %dma_start3A_107 = tpu.memref_slice %arg10[%multiple_of3A] : memref<8192xf32, #tpu.memory_space<vmem>> -> memref<128xf32, #tpu.memory_space<vmem>>
        %dma_start3A_108 = arith.constant 0 : i32
        %dma_start3A_109 = tpu.memref_slice %arg7[%scan3A_91, %dma_start3A_108] : memref<64x128xi32, #tpu.memory_space<vmem>> -> memref<1x128xi32, #tpu.memory_space<vmem>>
        %dma_start3A_110 = tpu.memref_squeeze %dma_start3A_109 : memref<1x128xi32, #tpu.memory_space<vmem>> -> memref<128xi32, #tpu.memory_space<vmem>>
        %dma_start3A_111 = arith.constant 0 : i32
        %dma_start3A_112 = tpu.memref_slice %arg17[%dma_start3A_111] : memref<102400xf32, #tpu.memory_space<vmem_shared>> -> memref<102400xf32, #tpu.memory_space<vmem_shared>>
        tpu.enqueue_indirect_dma source(%dma_start3A_107 : memref<128xf32, #tpu.memory_space<vmem>>) target(%dma_start3A_112 : memref<102400xf32, #tpu.memory_space<vmem_shared>>) offsets(%dma_start3A_110 : memref<128xi32, #tpu.memory_space<vmem>>) semaphore(%arg19 : memref<!tpu.dma_semaphore, #tpu.memory_space<semaphore_mem>>) {add = true}
        %scan3A_113 = arith.constant 0 : i32
        scf.yield %scan3A_113 : i32
      }
      %scan3A_82 = arith.constant 64 : i32
      %scan3A_83 = arith.constant 0 : i32
      %scan3A_84 = arith.constant 0 : i32
      %scan3A_85 = arith.constant 64 : i32
      %scan3A_86 = arith.addi %scan3A_84, %scan3A_85 : i32
      %scan3A_87 = arith.constant 1 : i32
      %scan3A_88 = scf.for %scan3A_91 = %scan3A_84 to %scan3A_86 step %scan3A_87 iter_args(%scan3A_92 = %scan3A_83) -> (i32)  : i32 {
        %dma_wait3A_93 = arith.constant 0 : i32
        %dma_wait3A_94 = arith.constant 0 : i32
        %dma_wait3A_95 = tpu.memref_slice %arg8[%dma_wait3A_94] : memref<8192xf32, #tpu.memory_space<vmem>> -> memref<128xf32, #tpu.memory_space<vmem>>
        %dma_wait3A_96 = arith.constant 0 : i32
        %dma_wait3A_97 = tpu.memref_slice %arg7[%dma_wait3A_93, %dma_wait3A_96] : memref<64x128xi32, #tpu.memory_space<vmem>> -> memref<1x128xi32, #tpu.memory_space<vmem>>
        %dma_wait3A_98 = tpu.memref_squeeze %dma_wait3A_97 : memref<1x128xi32, #tpu.memory_space<vmem>> -> memref<128xi32, #tpu.memory_space<vmem>>
        %dma_wait3A_99 = arith.constant 0 : i32
        %dma_wait3A_100 = tpu.memref_slice %arg15[%dma_wait3A_99] : memref<102400xf32, #tpu.memory_space<vmem_shared>> -> memref<102400xf32, #tpu.memory_space<vmem_shared>>
        tpu.wait_indirect_dma semaphore(%arg19 : memref<!tpu.dma_semaphore, #tpu.memory_space<semaphore_mem>>) src(%dma_wait3A_95 : memref<128xf32, #tpu.memory_space<vmem>>) dst(%dma_wait3A_100 : memref<102400xf32, #tpu.memory_space<vmem_shared>>)
        %dma_wait3A_101 = arith.constant 0 : i32
        %dma_wait3A_102 = arith.constant 0 : i32
        %dma_wait3A_103 = tpu.memref_slice %arg9[%dma_wait3A_102] : memref<8192xf32, #tpu.memory_space<vmem>> -> memref<128xf32, #tpu.memory_space<vmem>>
        %dma_wait3A_104 = arith.constant 0 : i32
        %dma_wait3A_105 = tpu.memref_slice %arg7[%dma_wait3A_101, %dma_wait3A_104] : memref<64x128xi32, #tpu.memory_space<vmem>> -> memref<1x128xi32, #tpu.memory_space<vmem>>
        %dma_wait3A_106 = tpu.memref_squeeze %dma_wait3A_105 : memref<1x128xi32, #tpu.memory_space<vmem>> -> memref<128xi32, #tpu.memory_space<vmem>>
        %dma_wait3A_107 = arith.constant 0 : i32
        %dma_wait3A_108 = tpu.memref_slice %arg16[%dma_wait3A_107] : memref<102400xf32, #tpu.memory_space<vmem_shared>> -> memref<102400xf32, #tpu.memory_space<vmem_shared>>
        tpu.wait_indirect_dma semaphore(%arg19 : memref<!tpu.dma_semaphore, #tpu.memory_space<semaphore_mem>>) src(%dma_wait3A_103 : memref<128xf32, #tpu.memory_space<vmem>>) dst(%dma_wait3A_108 : memref<102400xf32, #tpu.memory_space<vmem_shared>>)
        %dma_wait3A_109 = arith.constant 0 : i32
        %dma_wait3A_110 = arith.constant 0 : i32
        %dma_wait3A_111 = tpu.memref_slice %arg10[%dma_wait3A_110] : memref<8192xf32, #tpu.memory_space<vmem>> -> memref<128xf32, #tpu.memory_space<vmem>>
        %dma_wait3A_112 = arith.constant 0 : i32
        %dma_wait3A_113 = tpu.memref_slice %arg7[%dma_wait3A_109, %dma_wait3A_112] : memref<64x128xi32, #tpu.memory_space<vmem>> -> memref<1x128xi32, #tpu.memory_space<vmem>>
        %dma_wait3A_114 = tpu.memref_squeeze %dma_wait3A_113 : memref<1x128xi32, #tpu.memory_space<vmem>> -> memref<128xi32, #tpu.memory_space<vmem>>
        %dma_wait3A_115 = arith.constant 0 : i32
        %dma_wait3A_116 = tpu.memref_slice %arg17[%dma_wait3A_115] : memref<102400xf32, #tpu.memory_space<vmem_shared>> -> memref<102400xf32, #tpu.memory_space<vmem_shared>>
        tpu.wait_indirect_dma semaphore(%arg19 : memref<!tpu.dma_semaphore, #tpu.memory_space<semaphore_mem>>) src(%dma_wait3A_111 : memref<128xf32, #tpu.memory_space<vmem>>) dst(%dma_wait3A_116 : memref<102400xf32, #tpu.memory_space<vmem_shared>>)
        %scan3A_117 = arith.constant 0 : i32
        scf.yield %scan3A_117 : i32
      }
      %scan3A_89 = arith.constant 64 : i32
      %scan3A_90 = arith.constant 0 : i32
      scf.yield %scan3A_90 : i32
    }
    %scan3A_28 = arith.constant 25 : i32
    %barrier3A_29 = arith.constant 0 : index
    tpu.barrier barrier_id(%barrier3A_29)
    "tpu.region"() ({
      %run_scoped3A = tpu.sem_alloc : memref<!tpu.dma_semaphore, #tpu.memory_space<semaphore_mem>>
      %dma_start3A = tpu.memref_slice %arg15[%mul3A_2] : memref<102400xf32, #tpu.memory_space<vmem_shared>> -> memref<6400xf32, #tpu.memory_space<vmem_shared>>
      %dma_start3A_57 = tpu.memref_slice %arg15[%mul3A_2] : memref<102400xf32, #tpu.memory_space<vmem_shared>> -> memref<6400xf32, #tpu.memory_space<vmem_shared>>
      tpu.enqueue_dma source(%dma_start3A_57 : memref<6400xf32, #tpu.memory_space<vmem_shared>>) target(%arg11 : memref<6400xf32, #tpu.memory_space<vmem>>) target_semaphore(%run_scoped3A : memref<!tpu.dma_semaphore, #tpu.memory_space<semaphore_mem>>)
      %dma_wait3A = tpu.memref_slice %arg15[%mul3A_2] : memref<102400xf32, #tpu.memory_space<vmem_shared>> -> memref<6400xf32, #tpu.memory_space<vmem_shared>>
      %dma_wait3A_58 = tpu.memref_slice %arg15[%mul3A_2] : memref<102400xf32, #tpu.memory_space<vmem_shared>> -> memref<6400xf32, #tpu.memory_space<vmem_shared>>
      tpu.wait_dma2 semaphore(%run_scoped3A : memref<!tpu.dma_semaphore, #tpu.memory_space<semaphore_mem>>) src(%dma_wait3A_58 : memref<6400xf32, #tpu.memory_space<vmem_shared>>) dst(%arg11 : memref<6400xf32, #tpu.memory_space<vmem>>)
      tpu.yield
    }) : () -> ()
    %mul3A_30 = arith.constant 3 : i32
    %mul3A_31 = arith.muli %arg0, %mul3A_30 : i32
    %add3A_32 = arith.constant 0 : i32
    %add3A_33 = arith.addi %mul3A_31, %add3A_32 : i32
    %mul3A_34 = arith.constant 102400 : i32
    %mul3A_35 = arith.muli %add3A_33, %mul3A_34 : i32
    %mul3A_36 = arith.constant 6400 : i32
    %mul3A_37 = arith.muli %arg1, %mul3A_36 : i32
    %add3A_38 = arith.addi %mul3A_35, %mul3A_37 : i32
    "tpu.region"() ({
      %run_scoped3A = tpu.sem_alloc : memref<!tpu.dma_semaphore, #tpu.memory_space<semaphore_mem>>
      %dma_start3A = tpu.memref_slice %arg5[%add3A_38] : memref<614400xf32, #tpu.memory_space<hbm>> -> memref<6400xf32, #tpu.memory_space<hbm>>
      %dma_start3A_57 = tpu.memref_slice %arg5[%add3A_38] : memref<614400xf32, #tpu.memory_space<hbm>> -> memref<6400xf32, #tpu.memory_space<hbm>>
      tpu.enqueue_dma source(%arg11 : memref<6400xf32, #tpu.memory_space<vmem>>) target(%dma_start3A_57 : memref<6400xf32, #tpu.memory_space<hbm>>) target_semaphore(%run_scoped3A : memref<!tpu.dma_semaphore, #tpu.memory_space<semaphore_mem>>)
      %dma_wait3A = tpu.memref_slice %arg5[%add3A_38] : memref<614400xf32, #tpu.memory_space<hbm>> -> memref<6400xf32, #tpu.memory_space<hbm>>
      %dma_wait3A_58 = tpu.memref_slice %arg5[%add3A_38] : memref<614400xf32, #tpu.memory_space<hbm>> -> memref<6400xf32, #tpu.memory_space<hbm>>
      tpu.wait_dma2 semaphore(%run_scoped3A : memref<!tpu.dma_semaphore, #tpu.memory_space<semaphore_mem>>) src(%arg11 : memref<6400xf32, #tpu.memory_space<vmem>>) dst(%dma_wait3A_58 : memref<6400xf32, #tpu.memory_space<hbm>>)
      tpu.yield
    }) : () -> ()
    "tpu.region"() ({
      %run_scoped3A = tpu.sem_alloc : memref<!tpu.dma_semaphore, #tpu.memory_space<semaphore_mem>>
      %dma_start3A = tpu.memref_slice %arg16[%mul3A_2] : memref<102400xf32, #tpu.memory_space<vmem_shared>> -> memref<6400xf32, #tpu.memory_space<vmem_shared>>
      %dma_start3A_57 = tpu.memref_slice %arg16[%mul3A_2] : memref<102400xf32, #tpu.memory_space<vmem_shared>> -> memref<6400xf32, #tpu.memory_space<vmem_shared>>
      tpu.enqueue_dma source(%dma_start3A_57 : memref<6400xf32, #tpu.memory_space<vmem_shared>>) target(%arg11 : memref<6400xf32, #tpu.memory_space<vmem>>) target_semaphore(%run_scoped3A : memref<!tpu.dma_semaphore, #tpu.memory_space<semaphore_mem>>)
      %dma_wait3A = tpu.memref_slice %arg16[%mul3A_2] : memref<102400xf32, #tpu.memory_space<vmem_shared>> -> memref<6400xf32, #tpu.memory_space<vmem_shared>>
      %dma_wait3A_58 = tpu.memref_slice %arg16[%mul3A_2] : memref<102400xf32, #tpu.memory_space<vmem_shared>> -> memref<6400xf32, #tpu.memory_space<vmem_shared>>
      tpu.wait_dma2 semaphore(%run_scoped3A : memref<!tpu.dma_semaphore, #tpu.memory_space<semaphore_mem>>) src(%dma_wait3A_58 : memref<6400xf32, #tpu.memory_space<vmem_shared>>) dst(%arg11 : memref<6400xf32, #tpu.memory_space<vmem>>)
      tpu.yield
    }) : () -> ()
    %mul3A_39 = arith.constant 3 : i32
    %mul3A_40 = arith.muli %arg0, %mul3A_39 : i32
    %add3A_41 = arith.constant 1 : i32
    %add3A_42 = arith.addi %mul3A_40, %add3A_41 : i32
    %mul3A_43 = arith.constant 102400 : i32
    %mul3A_44 = arith.muli %add3A_42, %mul3A_43 : i32
    %mul3A_45 = arith.constant 6400 : i32
    %mul3A_46 = arith.muli %arg1, %mul3A_45 : i32
    %add3A_47 = arith.addi %mul3A_44, %mul3A_46 : i32
    "tpu.region"() ({
      %run_scoped3A = tpu.sem_alloc : memref<!tpu.dma_semaphore, #tpu.memory_space<semaphore_mem>>
      %dma_start3A = tpu.memref_slice %arg5[%add3A_47] : memref<614400xf32, #tpu.memory_space<hbm>> -> memref<6400xf32, #tpu.memory_space<hbm>>
      %dma_start3A_57 = tpu.memref_slice %arg5[%add3A_47] : memref<614400xf32, #tpu.memory_space<hbm>> -> memref<6400xf32, #tpu.memory_space<hbm>>
      tpu.enqueue_dma source(%arg11 : memref<6400xf32, #tpu.memory_space<vmem>>) target(%dma_start3A_57 : memref<6400xf32, #tpu.memory_space<hbm>>) target_semaphore(%run_scoped3A : memref<!tpu.dma_semaphore, #tpu.memory_space<semaphore_mem>>)
      %dma_wait3A = tpu.memref_slice %arg5[%add3A_47] : memref<614400xf32, #tpu.memory_space<hbm>> -> memref<6400xf32, #tpu.memory_space<hbm>>
      %dma_wait3A_58 = tpu.memref_slice %arg5[%add3A_47] : memref<614400xf32, #tpu.memory_space<hbm>> -> memref<6400xf32, #tpu.memory_space<hbm>>
      tpu.wait_dma2 semaphore(%run_scoped3A : memref<!tpu.dma_semaphore, #tpu.memory_space<semaphore_mem>>) src(%arg11 : memref<6400xf32, #tpu.memory_space<vmem>>) dst(%dma_wait3A_58 : memref<6400xf32, #tpu.memory_space<hbm>>)
      tpu.yield
    }) : () -> ()
    "tpu.region"() ({
      %run_scoped3A = tpu.sem_alloc : memref<!tpu.dma_semaphore, #tpu.memory_space<semaphore_mem>>
      %dma_start3A = tpu.memref_slice %arg17[%mul3A_2] : memref<102400xf32, #tpu.memory_space<vmem_shared>> -> memref<6400xf32, #tpu.memory_space<vmem_shared>>
      %dma_start3A_57 = tpu.memref_slice %arg17[%mul3A_2] : memref<102400xf32, #tpu.memory_space<vmem_shared>> -> memref<6400xf32, #tpu.memory_space<vmem_shared>>
      tpu.enqueue_dma source(%dma_start3A_57 : memref<6400xf32, #tpu.memory_space<vmem_shared>>) target(%arg11 : memref<6400xf32, #tpu.memory_space<vmem>>) target_semaphore(%run_scoped3A : memref<!tpu.dma_semaphore, #tpu.memory_space<semaphore_mem>>)
      %dma_wait3A = tpu.memref_slice %arg17[%mul3A_2] : memref<102400xf32, #tpu.memory_space<vmem_shared>> -> memref<6400xf32, #tpu.memory_space<vmem_shared>>
      %dma_wait3A_58 = tpu.memref_slice %arg17[%mul3A_2] : memref<102400xf32, #tpu.memory_space<vmem_shared>> -> memref<6400xf32, #tpu.memory_space<vmem_shared>>
      tpu.wait_dma2 semaphore(%run_scoped3A : memref<!tpu.dma_semaphore, #tpu.memory_space<semaphore_mem>>) src(%dma_wait3A_58 : memref<6400xf32, #tpu.memory_space<vmem_shared>>) dst(%arg11 : memref<6400xf32, #tpu.memory_space<vmem>>)
      tpu.yield
    }) : () -> ()
    %mul3A_48 = arith.constant 3 : i32
    %mul3A_49 = arith.muli %arg0, %mul3A_48 : i32
    %add3A_50 = arith.constant 2 : i32
    %add3A_51 = arith.addi %mul3A_49, %add3A_50 : i32
    %mul3A_52 = arith.constant 102400 : i32
    %mul3A_53 = arith.muli %add3A_51, %mul3A_52 : i32
    %mul3A_54 = arith.constant 6400 : i32
    %mul3A_55 = arith.muli %arg1, %mul3A_54 : i32
    %add3A_56 = arith.addi %mul3A_53, %mul3A_55 : i32
    "tpu.region"() ({
      %run_scoped3A = tpu.sem_alloc : memref<!tpu.dma_semaphore, #tpu.memory_space<semaphore_mem>>
      %dma_start3A = tpu.memref_slice %arg5[%add3A_56] : memref<614400xf32, #tpu.memory_space<hbm>> -> memref<6400xf32, #tpu.memory_space<hbm>>
      %dma_start3A_57 = tpu.memref_slice %arg5[%add3A_56] : memref<614400xf32, #tpu.memory_space<hbm>> -> memref<6400xf32, #tpu.memory_space<hbm>>
      tpu.enqueue_dma source(%arg11 : memref<6400xf32, #tpu.memory_space<vmem>>) target(%dma_start3A_57 : memref<6400xf32, #tpu.memory_space<hbm>>) target_semaphore(%run_scoped3A : memref<!tpu.dma_semaphore, #tpu.memory_space<semaphore_mem>>)
      %dma_wait3A = tpu.memref_slice %arg5[%add3A_56] : memref<614400xf32, #tpu.memory_space<hbm>> -> memref<6400xf32, #tpu.memory_space<hbm>>
      %dma_wait3A_58 = tpu.memref_slice %arg5[%add3A_56] : memref<614400xf32, #tpu.memory_space<hbm>> -> memref<6400xf32, #tpu.memory_space<hbm>>
      tpu.wait_dma2 semaphore(%run_scoped3A : memref<!tpu.dma_semaphore, #tpu.memory_space<semaphore_mem>>) src(%arg11 : memref<6400xf32, #tpu.memory_space<vmem>>) dst(%dma_wait3A_58 : memref<6400xf32, #tpu.memory_space<hbm>>)
      tpu.yield
    }) : () -> ()
    return
  }
}

#map = affine_map<(d0, d1) -> (0, 0)>
#map1 = affine_map<(d0, d1) -> (0)>
module attributes {stable_mosaic.version = 14 : i64} {
  func.func @_sc_degree(%arg0: i32, %arg1: i32, %arg2: memref<51200x128xi32, #tpu.memory_space<hbm>>, %arg3: memref<204800xf32, #tpu.memory_space<hbm>>, %arg4: memref<64x128xi32, #tpu.memory_space<vmem>>, %arg5: memref<128xf32, #tpu.memory_space<vmem>>, %arg6: memref<6400xf32, #tpu.memory_space<vmem>>, %arg7: memref<102400xf32, #tpu.memory_space<vmem_shared>>, %arg8: memref<!tpu.dma_semaphore, #tpu.memory_space<semaphore_mem>>) attributes {dimension_semantics = [#tpu.dimension_semantics<core_parallel>, #tpu.dimension_semantics<subcore_parallel>], iteration_bounds = array<i64: 2, 16>, scalar_prefetch = 0 : i64, scratch_operands = 5 : i64, tpu.core_type = #tpu.core_type<sc_vector_subcore>, window_params = [{transform_indices = #map}, {transform_indices = #map1}]} {
    %mul3A = arith.constant 16 : i32
    %mul3A_0 = arith.muli %arg0, %mul3A : i32
    %add3A = arith.addi %mul3A_0, %arg1 : i32
    %broadcast_in_dim3A = arith.constant 1.000000e+00 : f32
    %broadcast_in_dim3A_1 = vector.broadcast %broadcast_in_dim3A : f32 to vector<16xf32>
    %scan3A = arith.constant 0 : i32
    %scan3A_2 = arith.constant 0 : i32
    %scan3A_3 = arith.constant 8 : i32
    %scan3A_4 = arith.addi %scan3A_2, %scan3A_3 : i32
    %scan3A_5 = arith.constant 1 : i32
    %scan3A_6 = scf.for %scan3A_34 = %scan3A_2 to %scan3A_4 step %scan3A_5 iter_args(%scan3A_35 = %scan3A) -> (i32)  : i32 {
      %mul3A_36 = arith.constant 16 : i32
      %mul3A_37 = arith.muli %scan3A_34, %mul3A_36 : i32
      %swap3A = arith.index_cast %mul3A_37 : i32 to index
      %swap3A_38 = tpu.vector_load %arg5[%swap3A] {strides = array<i32>} : memref<128xf32, #tpu.memory_space<vmem>>, vector<16xf32>,
      %swap3A_39 = vector.shape_cast %swap3A_38 : vector<16xf32> to vector<16xf32>
      %swap3A_40 = vector.shape_cast %broadcast_in_dim3A_1 : vector<16xf32> to vector<16xf32>
      tpu.vector_store %arg5[%swap3A], %swap3A_40 {strides = array<i32>} : memref<128xf32, #tpu.memory_space<vmem>>, vector<16xf32>,
      %scan3A_41 = arith.constant 0 : i32
      scf.yield %scan3A_41 : i32
    }
    %scan3A_7 = arith.constant 8 : i32
    %broadcast_in_dim3A_8 = arith.constant 0.000000e+00 : f32
    %broadcast_in_dim3A_9 = vector.broadcast %broadcast_in_dim3A_8 : f32 to vector<16xf32>
    %scan3A_10 = arith.constant 0 : i32
    %scan3A_11 = arith.constant 0 : i32
    %scan3A_12 = arith.constant 400 : i32
    %scan3A_13 = arith.addi %scan3A_11, %scan3A_12 : i32
    %scan3A_14 = arith.constant 1 : i32
    %scan3A_15 = scf.for %scan3A_34 = %scan3A_11 to %scan3A_13 step %scan3A_14 iter_args(%scan3A_35 = %scan3A_10) -> (i32)  : i32 {
      %mul3A_36 = arith.constant 16 : i32
      %mul3A_37 = arith.muli %scan3A_34, %mul3A_36 : i32
      %swap3A = arith.index_cast %mul3A_37 : i32 to index
      %swap3A_38 = tpu.vector_load %arg6[%swap3A] {strides = array<i32>} : memref<6400xf32, #tpu.memory_space<vmem>>, vector<16xf32>,
      %swap3A_39 = vector.shape_cast %swap3A_38 : vector<16xf32> to vector<16xf32>
      %swap3A_40 = vector.shape_cast %broadcast_in_dim3A_9 : vector<16xf32> to vector<16xf32>
      tpu.vector_store %arg6[%swap3A], %swap3A_40 {strides = array<i32>} : memref<6400xf32, #tpu.memory_space<vmem>>, vector<16xf32>,
      %scan3A_41 = arith.constant 0 : i32
      scf.yield %scan3A_41 : i32
    }
    %scan3A_16 = arith.constant 400 : i32
    %mul3A_17 = arith.constant 6400 : i32
    %mul3A_18 = arith.muli %arg1, %mul3A_17 : i32
    "tpu.region"() ({
      %run_scoped3A = tpu.sem_alloc : memref<!tpu.dma_semaphore, #tpu.memory_space<semaphore_mem>>
      %dma_start3A = tpu.memref_slice %arg7[%mul3A_18] : memref<102400xf32, #tpu.memory_space<vmem_shared>> -> memref<6400xf32, #tpu.memory_space<vmem_shared>>
      %dma_start3A_34 = tpu.memref_slice %arg7[%mul3A_18] : memref<102400xf32, #tpu.memory_space<vmem_shared>> -> memref<6400xf32, #tpu.memory_space<vmem_shared>>
      tpu.enqueue_dma source(%arg6 : memref<6400xf32, #tpu.memory_space<vmem>>) target(%dma_start3A_34 : memref<6400xf32, #tpu.memory_space<vmem_shared>>) target_semaphore(%run_scoped3A : memref<!tpu.dma_semaphore, #tpu.memory_space<semaphore_mem>>)
      %dma_wait3A = tpu.memref_slice %arg7[%mul3A_18] : memref<102400xf32, #tpu.memory_space<vmem_shared>> -> memref<6400xf32, #tpu.memory_space<vmem_shared>>
      %dma_wait3A_35 = tpu.memref_slice %arg7[%mul3A_18] : memref<102400xf32, #tpu.memory_space<vmem_shared>> -> memref<6400xf32, #tpu.memory_space<vmem_shared>>
      tpu.wait_dma2 semaphore(%run_scoped3A : memref<!tpu.dma_semaphore, #tpu.memory_space<semaphore_mem>>) src(%arg6 : memref<6400xf32, #tpu.memory_space<vmem>>) dst(%dma_wait3A_35 : memref<6400xf32, #tpu.memory_space<vmem_shared>>)
      tpu.yield
    }) : () -> ()
    %barrier3A = arith.constant 0 : index
    tpu.barrier barrier_id(%barrier3A)
    %scan3A_19 = arith.constant 0 : i32
    %scan3A_20 = arith.constant 0 : i32
    %scan3A_21 = arith.constant 25 : i32
    %scan3A_22 = arith.addi %scan3A_20, %scan3A_21 : i32
    %scan3A_23 = arith.constant 1 : i32
    %scan3A_24 = scf.for %scan3A_34 = %scan3A_20 to %scan3A_22 step %scan3A_23 iter_args(%scan3A_35 = %scan3A_19) -> (i32)  : i32 {
      %mul3A_36 = arith.constant 1600 : i32
      %mul3A_37 = arith.muli %add3A, %mul3A_36 : i32
      %mul3A_38 = arith.constant 64 : i32
      %mul3A_39 = arith.muli %scan3A_34, %mul3A_38 : i32
      %add3A_40 = arith.addi %mul3A_37, %mul3A_39 : i32
      "tpu.region"() ({
        %run_scoped3A = tpu.sem_alloc : memref<!tpu.dma_semaphore, #tpu.memory_space<semaphore_mem>>
        %dma_start3A = arith.constant 0 : i32
        %dma_start3A_56 = tpu.memref_slice %arg2[%add3A_40, %dma_start3A] : memref<51200x128xi32, #tpu.memory_space<hbm>> -> memref<64x128xi32, #tpu.memory_space<hbm>>
        %dma_start3A_57 = arith.constant 0 : i32
        %dma_start3A_58 = tpu.memref_slice %arg2[%add3A_40, %dma_start3A_57] : memref<51200x128xi32, #tpu.memory_space<hbm>> -> memref<64x128xi32, #tpu.memory_space<hbm>>
        tpu.enqueue_dma source(%dma_start3A_58 : memref<64x128xi32, #tpu.memory_space<hbm>>) target(%arg4 : memref<64x128xi32, #tpu.memory_space<vmem>>) target_semaphore(%run_scoped3A : memref<!tpu.dma_semaphore, #tpu.memory_space<semaphore_mem>>)
        %dma_wait3A = arith.constant 0 : i32
        %dma_wait3A_59 = tpu.memref_slice %arg2[%add3A_40, %dma_wait3A] : memref<51200x128xi32, #tpu.memory_space<hbm>> -> memref<64x128xi32, #tpu.memory_space<hbm>>
        %dma_wait3A_60 = arith.constant 0 : i32
        %dma_wait3A_61 = tpu.memref_slice %arg2[%add3A_40, %dma_wait3A_60] : memref<51200x128xi32, #tpu.memory_space<hbm>> -> memref<64x128xi32, #tpu.memory_space<hbm>>
        tpu.wait_dma2 semaphore(%run_scoped3A : memref<!tpu.dma_semaphore, #tpu.memory_space<semaphore_mem>>) src(%dma_wait3A_61 : memref<64x128xi32, #tpu.memory_space<hbm>>) dst(%arg4 : memref<64x128xi32, #tpu.memory_space<vmem>>)
        tpu.yield
      }) : () -> ()
      %scan3A_41 = arith.constant 0 : i32
      %scan3A_42 = arith.constant 0 : i32
      %scan3A_43 = arith.constant 64 : i32
      %scan3A_44 = arith.addi %scan3A_42, %scan3A_43 : i32
      %scan3A_45 = arith.constant 1 : i32
      %scan3A_46 = scf.for %scan3A_56 = %scan3A_42 to %scan3A_44 step %scan3A_45 iter_args(%scan3A_57 = %scan3A_41) -> (i32)  : i32 {
        %dma_start3A = arith.constant 0 : i32
        %dma_start3A_58 = tpu.memref_slice %arg4[%scan3A_56, %dma_start3A] : memref<64x128xi32, #tpu.memory_space<vmem>> -> memref<1x128xi32, #tpu.memory_space<vmem>>
        %dma_start3A_59 = tpu.memref_squeeze %dma_start3A_58 : memref<1x128xi32, #tpu.memory_space<vmem>> -> memref<128xi32, #tpu.memory_space<vmem>>
        %dma_start3A_60 = arith.constant 0 : i32
        %dma_start3A_61 = tpu.memref_slice %arg7[%dma_start3A_60] : memref<102400xf32, #tpu.memory_space<vmem_shared>> -> memref<102400xf32, #tpu.memory_space<vmem_shared>>
        tpu.enqueue_indirect_dma source(%arg5 : memref<128xf32, #tpu.memory_space<vmem>>) target(%dma_start3A_61 : memref<102400xf32, #tpu.memory_space<vmem_shared>>) offsets(%dma_start3A_59 : memref<128xi32, #tpu.memory_space<vmem>>) semaphore(%arg8 : memref<!tpu.dma_semaphore, #tpu.memory_space<semaphore_mem>>) {add = true}
        %scan3A_62 = arith.constant 0 : i32
        scf.yield %scan3A_62 : i32
      }
      %scan3A_47 = arith.constant 64 : i32
      %scan3A_48 = arith.constant 0 : i32
      %scan3A_49 = arith.constant 0 : i32
      %scan3A_50 = arith.constant 64 : i32
      %scan3A_51 = arith.addi %scan3A_49, %scan3A_50 : i32
      %scan3A_52 = arith.constant 1 : i32
      %scan3A_53 = scf.for %scan3A_56 = %scan3A_49 to %scan3A_51 step %scan3A_52 iter_args(%scan3A_57 = %scan3A_48) -> (i32)  : i32 {
        %dma_wait3A = arith.constant 0 : i32
        %dma_wait3A_58 = arith.constant 0 : i32
        %dma_wait3A_59 = tpu.memref_slice %arg4[%dma_wait3A, %dma_wait3A_58] : memref<64x128xi32, #tpu.memory_space<vmem>> -> memref<1x128xi32, #tpu.memory_space<vmem>>
        %dma_wait3A_60 = tpu.memref_squeeze %dma_wait3A_59 : memref<1x128xi32, #tpu.memory_space<vmem>> -> memref<128xi32, #tpu.memory_space<vmem>>
        %dma_wait3A_61 = arith.constant 0 : i32
        %dma_wait3A_62 = tpu.memref_slice %arg7[%dma_wait3A_61] : memref<102400xf32, #tpu.memory_space<vmem_shared>> -> memref<102400xf32, #tpu.memory_space<vmem_shared>>
        tpu.wait_indirect_dma semaphore(%arg8 : memref<!tpu.dma_semaphore, #tpu.memory_space<semaphore_mem>>) src(%arg5 : memref<128xf32, #tpu.memory_space<vmem>>) dst(%dma_wait3A_62 : memref<102400xf32, #tpu.memory_space<vmem_shared>>)
        %scan3A_63 = arith.constant 0 : i32
        scf.yield %scan3A_63 : i32
      }
      %scan3A_54 = arith.constant 64 : i32
      %scan3A_55 = arith.constant 0 : i32
      scf.yield %scan3A_55 : i32
    }
    %scan3A_25 = arith.constant 25 : i32
    %barrier3A_26 = arith.constant 0 : index
    tpu.barrier barrier_id(%barrier3A_26)
    %mul3A_27 = arith.constant 6400 : i32
    %mul3A_28 = arith.muli %arg1, %mul3A_27 : i32
    "tpu.region"() ({
      %run_scoped3A = tpu.sem_alloc : memref<!tpu.dma_semaphore, #tpu.memory_space<semaphore_mem>>
      %dma_start3A = tpu.memref_slice %arg7[%mul3A_28] : memref<102400xf32, #tpu.memory_space<vmem_shared>> -> memref<6400xf32, #tpu.memory_space<vmem_shared>>
      %dma_start3A_34 = tpu.memref_slice %arg7[%mul3A_28] : memref<102400xf32, #tpu.memory_space<vmem_shared>> -> memref<6400xf32, #tpu.memory_space<vmem_shared>>
      tpu.enqueue_dma source(%dma_start3A_34 : memref<6400xf32, #tpu.memory_space<vmem_shared>>) target(%arg6 : memref<6400xf32, #tpu.memory_space<vmem>>) target_semaphore(%run_scoped3A : memref<!tpu.dma_semaphore, #tpu.memory_space<semaphore_mem>>)
      %dma_wait3A = tpu.memref_slice %arg7[%mul3A_28] : memref<102400xf32, #tpu.memory_space<vmem_shared>> -> memref<6400xf32, #tpu.memory_space<vmem_shared>>
      %dma_wait3A_35 = tpu.memref_slice %arg7[%mul3A_28] : memref<102400xf32, #tpu.memory_space<vmem_shared>> -> memref<6400xf32, #tpu.memory_space<vmem_shared>>
      tpu.wait_dma2 semaphore(%run_scoped3A : memref<!tpu.dma_semaphore, #tpu.memory_space<semaphore_mem>>) src(%dma_wait3A_35 : memref<6400xf32, #tpu.memory_space<vmem_shared>>) dst(%arg6 : memref<6400xf32, #tpu.memory_space<vmem>>)
      tpu.yield
    }) : () -> ()
    %mul3A_29 = arith.constant 102400 : i32
    %mul3A_30 = arith.muli %arg0, %mul3A_29 : i32
    %mul3A_31 = arith.constant 6400 : i32
    %mul3A_32 = arith.muli %arg1, %mul3A_31 : i32
    %add3A_33 = arith.addi %mul3A_30, %mul3A_32 : i32
    "tpu.region"() ({
      %run_scoped3A = tpu.sem_alloc : memref<!tpu.dma_semaphore, #tpu.memory_space<semaphore_mem>>
      %dma_start3A = tpu.memref_slice %arg3[%add3A_33] : memref<204800xf32, #tpu.memory_space<hbm>> -> memref<6400xf32, #tpu.memory_space<hbm>>
      %dma_start3A_34 = tpu.memref_slice %arg3[%add3A_33] : memref<204800xf32, #tpu.memory_space<hbm>> -> memref<6400xf32, #tpu.memory_space<hbm>>
      tpu.enqueue_dma source(%arg6 : memref<6400xf32, #tpu.memory_space<vmem>>) target(%dma_start3A_34 : memref<6400xf32, #tpu.memory_space<hbm>>) target_semaphore(%run_scoped3A : memref<!tpu.dma_semaphore, #tpu.memory_space<semaphore_mem>>)
      %dma_wait3A = tpu.memref_slice %arg3[%add3A_33] : memref<204800xf32, #tpu.memory_space<hbm>> -> memref<6400xf32, #tpu.memory_space<hbm>>
      %dma_wait3A_35 = tpu.memref_slice %arg3[%add3A_33] : memref<204800xf32, #tpu.memory_space<hbm>> -> memref<6400xf32, #tpu.memory_space<hbm>>
      tpu.wait_dma2 semaphore(%run_scoped3A : memref<!tpu.dma_semaphore, #tpu.memory_space<semaphore_mem>>) src(%arg6 : memref<6400xf32, #tpu.memory_space<vmem>>) dst(%dma_wait3A_35 : memref<6400xf32, #tpu.memory_space<hbm>>)
      tpu.yield
    }) : () -> ()
    return
  }
}

module attributes {stable_mosaic.version = 14 : i64} {
  func.func @_tc_norm_body(%arg0: memref<2x800x128xf32, #tpu.memory_space<vmem>>, %arg1: memref<3x800x128xf32, #tpu.memory_space<vmem>>, %arg2: memref<800x128xf32, #tpu.memory_space<vmem>>, %arg3: memref<3x800x128xf32, #tpu.memory_space<vmem>>) attributes {dimension_semantics = [], scalar_prefetch = 0 : i64, scratch_operands = 0 : i64, tpu.core_type = #tpu.core_type<tc>} {
    %get3A = arith.constant 0 : index
    %get3A_0 = arith.constant 0 : index
    %get3A_1 = arith.constant 0 : index
    %get3A_2 = vector.load %arg0[%get3A, %get3A_0, %get3A_1] : memref<2x800x128xf32, #tpu.memory_space<vmem>>, vector<1x800x128xf32>
    %get3A_3 = vector.shape_cast %get3A_2 : vector<1x800x128xf32> to vector<800x128xf32>
    %get3A_4 = arith.constant 1 : index
    %get3A_5 = arith.constant 0 : index
    %get3A_6 = arith.constant 0 : index
    %get3A_7 = vector.load %arg0[%get3A_4, %get3A_5, %get3A_6] : memref<2x800x128xf32, #tpu.memory_space<vmem>>, vector<1x800x128xf32>
    %get3A_8 = vector.shape_cast %get3A_7 : vector<1x800x128xf32> to vector<800x128xf32>
    %add3A = arith.addf %get3A_3, %get3A_8 : vector<800x128xf32>
    %add3A_9 = arith.constant 1.000000e+00 : f32
    %add3A_10 = vector.broadcast %add3A_9 : f32 to vector<800x128xf32>
    %add3A_11 = arith.addf %add3A, %add3A_10 : vector<800x128xf32>
    %pow3A = arith.constant -5.000000e-01 : f32
    %pow3A_12 = vector.broadcast %pow3A : f32 to vector<800x128xf32>
    %pow3A_13 = math.powf %add3A_11, %pow3A_12 : vector<800x128xf32>
    %swap3A = arith.constant 0 : index
    %swap3A_14 = arith.constant 0 : index
    %swap3A_15 = vector.load %arg2[%swap3A, %swap3A_14] : memref<800x128xf32, #tpu.memory_space<vmem>>, vector<800x128xf32>
    tpu.vector_store %arg2[%swap3A, %swap3A_14], %pow3A_13 {strides = array<i32>} : memref<800x128xf32, #tpu.memory_space<vmem>>, vector<800x128xf32>,
    %get3A_16 = arith.constant 0 : index
    %get3A_17 = arith.constant 0 : index
    %get3A_18 = arith.constant 0 : index
    %get3A_19 = vector.load %arg1[%get3A_16, %get3A_17, %get3A_18] : memref<3x800x128xf32, #tpu.memory_space<vmem>>, vector<3x800x128xf32>
    %broadcast_in_dim3A = vector.shape_cast %pow3A_13 : vector<800x128xf32> to vector<1x800x128xf32>
    %mul3A = vector.broadcast %broadcast_in_dim3A : vector<1x800x128xf32> to vector<3x800x128xf32>
    %mul3A_20 = arith.mulf %get3A_19, %mul3A : vector<3x800x128xf32>
    %swap3A_21 = arith.constant 0 : index
    %swap3A_22 = arith.constant 0 : index
    %swap3A_23 = arith.constant 0 : index
    %swap3A_24 = vector.load %arg3[%swap3A_21, %swap3A_22, %swap3A_23] : memref<3x800x128xf32, #tpu.memory_space<vmem>>, vector<3x800x128xf32>
    tpu.vector_store %arg3[%swap3A_21, %swap3A_22, %swap3A_23], %mul3A_20 {strides = array<i32>} : memref<3x800x128xf32, #tpu.memory_space<vmem>>, vector<3x800x128xf32>,
    return
  }
}

module attributes {stable_mosaic.version = 14 : i64} {
  func.func @_tc_dense_body(%arg0: memref<2x3x800x128xf32, #tpu.memory_space<vmem>>, %arg1: memref<3x800x128xf32, #tpu.memory_space<vmem>>, %arg2: memref<800x128xf32, #tpu.memory_space<vmem>>, %arg3: memref<3x16xf32, #tpu.memory_space<smem>>, %arg4: memref<16xf32, #tpu.memory_space<smem>>, %arg5: memref<16x1xf32, #tpu.memory_space<smem>>, %arg6: memref<800x128xf32, #tpu.memory_space<vmem>>) attributes {dimension_semantics = [], scalar_prefetch = 0 : i64, scratch_operands = 0 : i64, tpu.core_type = #tpu.core_type<tc>} {
    %get3A = arith.constant 0 : index
    %get3A_0 = arith.constant 0 : index
    %get3A_1 = vector.load %arg2[%get3A, %get3A_0] : memref<800x128xf32, #tpu.memory_space<vmem>>, vector<800x128xf32>
    %get3A_2 = arith.constant 0 : index
    %get3A_3 = arith.constant 0 : index
    %get3A_4 = arith.constant 0 : index
    %get3A_5 = arith.constant 0 : index
    %get3A_6 = vector.load %arg0[%get3A_2, %get3A_3, %get3A_4, %get3A_5] : memref<2x3x800x128xf32, #tpu.memory_space<vmem>>, vector<1x1x800x128xf32>
    %get3A_7 = vector.shape_cast %get3A_6 : vector<1x1x800x128xf32> to vector<800x128xf32>
    %get3A_8 = arith.constant 1 : index
    %get3A_9 = arith.constant 0 : index
    %get3A_10 = arith.constant 0 : index
    %get3A_11 = arith.constant 0 : index
    %get3A_12 = vector.load %arg0[%get3A_8, %get3A_9, %get3A_10, %get3A_11] : memref<2x3x800x128xf32, #tpu.memory_space<vmem>>, vector<1x1x800x128xf32>
    %get3A_13 = vector.shape_cast %get3A_12 : vector<1x1x800x128xf32> to vector<800x128xf32>
    %add3A = arith.addf %get3A_7, %get3A_13 : vector<800x128xf32>
    %get3A_14 = arith.constant 0 : index
    %get3A_15 = arith.constant 0 : index
    %get3A_16 = arith.constant 0 : index
    %get3A_17 = vector.load %arg1[%get3A_14, %get3A_15, %get3A_16] : memref<3x800x128xf32, #tpu.memory_space<vmem>>, vector<1x800x128xf32>
    %get3A_18 = vector.shape_cast %get3A_17 : vector<1x800x128xf32> to vector<800x128xf32>
    %add3A_19 = arith.addf %add3A, %get3A_18 : vector<800x128xf32>
    %mul3A = arith.mulf %add3A_19, %get3A_1 : vector<800x128xf32>
    %get3A_20 = arith.constant 0 : index
    %get3A_21 = arith.constant 1 : index
    %get3A_22 = arith.constant 0 : index
    %get3A_23 = arith.constant 0 : index
    %get3A_24 = vector.load %arg0[%get3A_20, %get3A_21, %get3A_22, %get3A_23] : memref<2x3x800x128xf32, #tpu.memory_space<vmem>>, vector<1x1x800x128xf32>
    %get3A_25 = vector.shape_cast %get3A_24 : vector<1x1x800x128xf32> to vector<800x128xf32>
    %get3A_26 = arith.constant 1 : index
    %get3A_27 = arith.constant 1 : index
    %get3A_28 = arith.constant 0 : index
    %get3A_29 = arith.constant 0 : index
    %get3A_30 = vector.load %arg0[%get3A_26, %get3A_27, %get3A_28, %get3A_29] : memref<2x3x800x128xf32, #tpu.memory_space<vmem>>, vector<1x1x800x128xf32>
    %get3A_31 = vector.shape_cast %get3A_30 : vector<1x1x800x128xf32> to vector<800x128xf32>
    %add3A_32 = arith.addf %get3A_25, %get3A_31 : vector<800x128xf32>
    %get3A_33 = arith.constant 1 : index
    %get3A_34 = arith.constant 0 : index
    %get3A_35 = arith.constant 0 : index
    %get3A_36 = vector.load %arg1[%get3A_33, %get3A_34, %get3A_35] : memref<3x800x128xf32, #tpu.memory_space<vmem>>, vector<1x800x128xf32>
    %get3A_37 = vector.shape_cast %get3A_36 : vector<1x800x128xf32> to vector<800x128xf32>
    %add3A_38 = arith.addf %add3A_32, %get3A_37 : vector<800x128xf32>
    %mul3A_39 = arith.mulf %add3A_38, %get3A_1 : vector<800x128xf32>
    %get3A_40 = arith.constant 0 : index
    %get3A_41 = arith.constant 2 : index
    %get3A_42 = arith.constant 0 : index
    %get3A_43 = arith.constant 0 : index
    %get3A_44 = vector.load %arg0[%get3A_40, %get3A_41, %get3A_42, %get3A_43] : memref<2x3x800x128xf32, #tpu.memory_space<vmem>>, vector<1x1x800x128xf32>
    %get3A_45 = vector.shape_cast %get3A_44 : vector<1x1x800x128xf32> to vector<800x128xf32>
    %get3A_46 = arith.constant 1 : index
    %get3A_47 = arith.constant 2 : index
    %get3A_48 = arith.constant 0 : index
    %get3A_49 = arith.constant 0 : index
    %get3A_50 = vector.load %arg0[%get3A_46, %get3A_47, %get3A_48, %get3A_49] : memref<2x3x800x128xf32, #tpu.memory_space<vmem>>, vector<1x1x800x128xf32>
    %get3A_51 = vector.shape_cast %get3A_50 : vector<1x1x800x128xf32> to vector<800x128xf32>
    %add3A_52 = arith.addf %get3A_45, %get3A_51 : vector<800x128xf32>
    %get3A_53 = arith.constant 2 : index
    %get3A_54 = arith.constant 0 : index
    %get3A_55 = arith.constant 0 : index
    %get3A_56 = vector.load %arg1[%get3A_53, %get3A_54, %get3A_55] : memref<3x800x128xf32, #tpu.memory_space<vmem>>, vector<1x800x128xf32>
    %get3A_57 = vector.shape_cast %get3A_56 : vector<1x800x128xf32> to vector<800x128xf32>
    %add3A_58 = arith.addf %add3A_52, %get3A_57 : vector<800x128xf32>
    %mul3A_59 = arith.mulf %add3A_58, %get3A_1 : vector<800x128xf32>
    %broadcast_in_dim3A = arith.constant 0.000000e+00 : f32
    %broadcast_in_dim3A_60 = vector.broadcast %broadcast_in_dim3A : f32 to vector<800x128xf32>
    %get3A_61 = arith.constant 0 : index
    %get3A_62 = arith.constant 0 : index
    %get3A_63 = memref.load %arg3[%get3A_61, %get3A_62] : memref<3x16xf32, #tpu.memory_space<smem>>
    %mul3A_64 = vector.broadcast %get3A_63 : f32 to vector<800x128xf32>
    %mul3A_65 = arith.mulf %mul3A, %mul3A_64 : vector<800x128xf32>
    %get3A_66 = arith.constant 1 : index
    %get3A_67 = arith.constant 0 : index
    %get3A_68 = memref.load %arg3[%get3A_66, %get3A_67] : memref<3x16xf32, #tpu.memory_space<smem>>
    %mul3A_69 = vector.broadcast %get3A_68 : f32 to vector<800x128xf32>
    %mul3A_70 = arith.mulf %mul3A_39, %mul3A_69 : vector<800x128xf32>
    %add3A_71 = arith.addf %mul3A_65, %mul3A_70 : vector<800x128xf32>
    %get3A_72 = arith.constant 2 : index
    %get3A_73 = arith.constant 0 : index
    %get3A_74 = memref.load %arg3[%get3A_72, %get3A_73] : memref<3x16xf32, #tpu.memory_space<smem>>
    %mul3A_75 = vector.broadcast %get3A_74 : f32 to vector<800x128xf32>
    %mul3A_76 = arith.mulf %mul3A_59, %mul3A_75 : vector<800x128xf32>
    %add3A_77 = arith.addf %add3A_71, %mul3A_76 : vector<800x128xf32>
    %get3A_78 = arith.constant 0 : index
    %get3A_79 = memref.load %arg4[%get3A_78] : memref<16xf32, #tpu.memory_space<smem>>
    %add3A_80 = vector.broadcast %get3A_79 : f32 to vector<800x128xf32>
    %add3A_81 = arith.addf %add3A_77, %add3A_80 : vector<800x128xf32>
    %max3A = arith.constant 0.000000e+00 : f32
    %max3A_82 = vector.broadcast %max3A : f32 to vector<800x128xf32>
    %max3A_83 = arith.maximumf %add3A_81, %max3A_82 : vector<800x128xf32>
    %get3A_84 = arith.constant 0 : index
    %get3A_85 = arith.constant 0 : index
    %get3A_86 = memref.load %arg5[%get3A_84, %get3A_85] : memref<16x1xf32, #tpu.memory_space<smem>>
    %mul3A_87 = vector.broadcast %get3A_86 : f32 to vector<800x128xf32>
    %mul3A_88 = arith.mulf %max3A_83, %mul3A_87 : vector<800x128xf32>
    %add3A_89 = arith.addf %broadcast_in_dim3A_60, %mul3A_88 : vector<800x128xf32>
    %get3A_90 = arith.constant 0 : index
    %get3A_91 = arith.constant 1 : index
    %get3A_92 = memref.load %arg3[%get3A_90, %get3A_91] : memref<3x16xf32, #tpu.memory_space<smem>>
    %mul3A_93 = vector.broadcast %get3A_92 : f32 to vector<800x128xf32>
    %mul3A_94 = arith.mulf %mul3A, %mul3A_93 : vector<800x128xf32>
    %get3A_95 = arith.constant 1 : index
    %get3A_96 = arith.constant 1 : index
    %get3A_97 = memref.load %arg3[%get3A_95, %get3A_96] : memref<3x16xf32, #tpu.memory_space<smem>>
    %mul3A_98 = vector.broadcast %get3A_97 : f32 to vector<800x128xf32>
    %mul3A_99 = arith.mulf %mul3A_39, %mul3A_98 : vector<800x128xf32>
    %add3A_100 = arith.addf %mul3A_94, %mul3A_99 : vector<800x128xf32>
    %get3A_101 = arith.constant 2 : index
    %get3A_102 = arith.constant 1 : index
    %get3A_103 = memref.load %arg3[%get3A_101, %get3A_102] : memref<3x16xf32, #tpu.memory_space<smem>>
    %mul3A_104 = vector.broadcast %get3A_103 : f32 to vector<800x128xf32>
    %mul3A_105 = arith.mulf %mul3A_59, %mul3A_104 : vector<800x128xf32>
    %add3A_106 = arith.addf %add3A_100, %mul3A_105 : vector<800x128xf32>
    %get3A_107 = arith.constant 1 : index
    %get3A_108 = memref.load %arg4[%get3A_107] : memref<16xf32, #tpu.memory_space<smem>>
    %add3A_109 = vector.broadcast %get3A_108 : f32 to vector<800x128xf32>
    %add3A_110 = arith.addf %add3A_106, %add3A_109 : vector<800x128xf32>
    %max3A_111 = arith.constant 0.000000e+00 : f32
    %max3A_112 = vector.broadcast %max3A_111 : f32 to vector<800x128xf32>
    %max3A_113 = arith.maximumf %add3A_110, %max3A_112 : vector<800x128xf32>
    %get3A_114 = arith.constant 1 : index
    %get3A_115 = arith.constant 0 : index
    %get3A_116 = memref.load %arg5[%get3A_114, %get3A_115] : memref<16x1xf32, #tpu.memory_space<smem>>
    %mul3A_117 = vector.broadcast %get3A_116 : f32 to vector<800x128xf32>
    %mul3A_118 = arith.mulf %max3A_113, %mul3A_117 : vector<800x128xf32>
    %add3A_119 = arith.addf %add3A_89, %mul3A_118 : vector<800x128xf32>
    %get3A_120 = arith.constant 0 : index
    %get3A_121 = arith.constant 2 : index
    %get3A_122 = memref.load %arg3[%get3A_120, %get3A_121] : memref<3x16xf32, #tpu.memory_space<smem>>
    %mul3A_123 = vector.broadcast %get3A_122 : f32 to vector<800x128xf32>
    %mul3A_124 = arith.mulf %mul3A, %mul3A_123 : vector<800x128xf32>
    %get3A_125 = arith.constant 1 : index
    %get3A_126 = arith.constant 2 : index
    %get3A_127 = memref.load %arg3[%get3A_125, %get3A_126] : memref<3x16xf32, #tpu.memory_space<smem>>
    %mul3A_128 = vector.broadcast %get3A_127 : f32 to vector<800x128xf32>
    %mul3A_129 = arith.mulf %mul3A_39, %mul3A_128 : vector<800x128xf32>
    %add3A_130 = arith.addf %mul3A_124, %mul3A_129 : vector<800x128xf32>
    %get3A_131 = arith.constant 2 : index
    %get3A_132 = arith.constant 2 : index
    %get3A_133 = memref.load %arg3[%get3A_131, %get3A_132] : memref<3x16xf32, #tpu.memory_space<smem>>
    %mul3A_134 = vector.broadcast %get3A_133 : f32 to vector<800x128xf32>
    %mul3A_135 = arith.mulf %mul3A_59, %mul3A_134 : vector<800x128xf32>
    %add3A_136 = arith.addf %add3A_130, %mul3A_135 : vector<800x128xf32>
    %get3A_137 = arith.constant 2 : index
    %get3A_138 = memref.load %arg4[%get3A_137] : memref<16xf32, #tpu.memory_space<smem>>
    %add3A_139 = vector.broadcast %get3A_138 : f32 to vector<800x128xf32>
    %add3A_140 = arith.addf %add3A_136, %add3A_139 : vector<800x128xf32>
    %max3A_141 = arith.constant 0.000000e+00 : f32
    %max3A_142 = vector.broadcast %max3A_141 : f32 to vector<800x128xf32>
    %max3A_143 = arith.maximumf %add3A_140, %max3A_142 : vector<800x128xf32>
    %get3A_144 = arith.constant 2 : index
    %get3A_145 = arith.constant 0 : index
    %get3A_146 = memref.load %arg5[%get3A_144, %get3A_145] : memref<16x1xf32, #tpu.memory_space<smem>>
    %mul3A_147 = vector.broadcast %get3A_146 : f32 to vector<800x128xf32>
    %mul3A_148 = arith.mulf %max3A_143, %mul3A_147 : vector<800x128xf32>
    %add3A_149 = arith.addf %add3A_119, %mul3A_148 : vector<800x128xf32>
    %get3A_150 = arith.constant 0 : index
    %get3A_151 = arith.constant 3 : index
    %get3A_152 = memref.load %arg3[%get3A_150, %get3A_151] : memref<3x16xf32, #tpu.memory_space<smem>>
    %mul3A_153 = vector.broadcast %get3A_152 : f32 to vector<800x128xf32>
    %mul3A_154 = arith.mulf %mul3A, %mul3A_153 : vector<800x128xf32>
    %get3A_155 = arith.constant 1 : index
    %get3A_156 = arith.constant 3 : index
    %get3A_157 = memref.load %arg3[%get3A_155, %get3A_156] : memref<3x16xf32, #tpu.memory_space<smem>>
    %mul3A_158 = vector.broadcast %get3A_157 : f32 to vector<800x128xf32>
    %mul3A_159 = arith.mulf %mul3A_39, %mul3A_158 : vector<800x128xf32>
    %add3A_160 = arith.addf %mul3A_154, %mul3A_159 : vector<800x128xf32>
    %get3A_161 = arith.constant 2 : index
    %get3A_162 = arith.constant 3 : index
    %get3A_163 = memref.load %arg3[%get3A_161, %get3A_162] : memref<3x16xf32, #tpu.memory_space<smem>>
    %mul3A_164 = vector.broadcast %get3A_163 : f32 to vector<800x128xf32>
    %mul3A_165 = arith.mulf %mul3A_59, %mul3A_164 : vector<800x128xf32>
    %add3A_166 = arith.addf %add3A_160, %mul3A_165 : vector<800x128xf32>
    %get3A_167 = arith.constant 3 : index
    %get3A_168 = memref.load %arg4[%get3A_167] : memref<16xf32, #tpu.memory_space<smem>>
    %add3A_169 = vector.broadcast %get3A_168 : f32 to vector<800x128xf32>
    %add3A_170 = arith.addf %add3A_166, %add3A_169 : vector<800x128xf32>
    %max3A_171 = arith.constant 0.000000e+00 : f32
    %max3A_172 = vector.broadcast %max3A_171 : f32 to vector<800x128xf32>
    %max3A_173 = arith.maximumf %add3A_170, %max3A_172 : vector<800x128xf32>
    %get3A_174 = arith.constant 3 : index
    %get3A_175 = arith.constant 0 : index
    %get3A_176 = memref.load %arg5[%get3A_174, %get3A_175] : memref<16x1xf32, #tpu.memory_space<smem>>
    %mul3A_177 = vector.broadcast %get3A_176 : f32 to vector<800x128xf32>
    %mul3A_178 = arith.mulf %max3A_173, %mul3A_177 : vector<800x128xf32>
    %add3A_179 = arith.addf %add3A_149, %mul3A_178 : vector<800x128xf32>
    %get3A_180 = arith.constant 0 : index
    %get3A_181 = arith.constant 4 : index
    %get3A_182 = memref.load %arg3[%get3A_180, %get3A_181] : memref<3x16xf32, #tpu.memory_space<smem>>
    %mul3A_183 = vector.broadcast %get3A_182 : f32 to vector<800x128xf32>
    %mul3A_184 = arith.mulf %mul3A, %mul3A_183 : vector<800x128xf32>
    %get3A_185 = arith.constant 1 : index
    %get3A_186 = arith.constant 4 : index
    %get3A_187 = memref.load %arg3[%get3A_185, %get3A_186] : memref<3x16xf32, #tpu.memory_space<smem>>
    %mul3A_188 = vector.broadcast %get3A_187 : f32 to vector<800x128xf32>
    %mul3A_189 = arith.mulf %mul3A_39, %mul3A_188 : vector<800x128xf32>
    %add3A_190 = arith.addf %mul3A_184, %mul3A_189 : vector<800x128xf32>
    %get3A_191 = arith.constant 2 : index
    %get3A_192 = arith.constant 4 : index
    %get3A_193 = memref.load %arg3[%get3A_191, %get3A_192] : memref<3x16xf32, #tpu.memory_space<smem>>
    %mul3A_194 = vector.broadcast %get3A_193 : f32 to vector<800x128xf32>
    %mul3A_195 = arith.mulf %mul3A_59, %mul3A_194 : vector<800x128xf32>
    %add3A_196 = arith.addf %add3A_190, %mul3A_195 : vector<800x128xf32>
    %get3A_197 = arith.constant 4 : index
    %get3A_198 = memref.load %arg4[%get3A_197] : memref<16xf32, #tpu.memory_space<smem>>
    %add3A_199 = vector.broadcast %get3A_198 : f32 to vector<800x128xf32>
    %add3A_200 = arith.addf %add3A_196, %add3A_199 : vector<800x128xf32>
    %max3A_201 = arith.constant 0.000000e+00 : f32
    %max3A_202 = vector.broadcast %max3A_201 : f32 to vector<800x128xf32>
    %max3A_203 = arith.maximumf %add3A_200, %max3A_202 : vector<800x128xf32>
    %get3A_204 = arith.constant 4 : index
    %get3A_205 = arith.constant 0 : index
    %get3A_206 = memref.load %arg5[%get3A_204, %get3A_205] : memref<16x1xf32, #tpu.memory_space<smem>>
    %mul3A_207 = vector.broadcast %get3A_206 : f32 to vector<800x128xf32>
    %mul3A_208 = arith.mulf %max3A_203, %mul3A_207 : vector<800x128xf32>
    %add3A_209 = arith.addf %add3A_179, %mul3A_208 : vector<800x128xf32>
    %get3A_210 = arith.constant 0 : index
    %get3A_211 = arith.constant 5 : index
    %get3A_212 = memref.load %arg3[%get3A_210, %get3A_211] : memref<3x16xf32, #tpu.memory_space<smem>>
    %mul3A_213 = vector.broadcast %get3A_212 : f32 to vector<800x128xf32>
    %mul3A_214 = arith.mulf %mul3A, %mul3A_213 : vector<800x128xf32>
    %get3A_215 = arith.constant 1 : index
    %get3A_216 = arith.constant 5 : index
    %get3A_217 = memref.load %arg3[%get3A_215, %get3A_216] : memref<3x16xf32, #tpu.memory_space<smem>>
    %mul3A_218 = vector.broadcast %get3A_217 : f32 to vector<800x128xf32>
    %mul3A_219 = arith.mulf %mul3A_39, %mul3A_218 : vector<800x128xf32>
    %add3A_220 = arith.addf %mul3A_214, %mul3A_219 : vector<800x128xf32>
    %get3A_221 = arith.constant 2 : index
    %get3A_222 = arith.constant 5 : index
    %get3A_223 = memref.load %arg3[%get3A_221, %get3A_222] : memref<3x16xf32, #tpu.memory_space<smem>>
    %mul3A_224 = vector.broadcast %get3A_223 : f32 to vector<800x128xf32>
    %mul3A_225 = arith.mulf %mul3A_59, %mul3A_224 : vector<800x128xf32>
    %add3A_226 = arith.addf %add3A_220, %mul3A_225 : vector<800x128xf32>
    %get3A_227 = arith.constant 5 : index
    %get3A_228 = memref.load %arg4[%get3A_227] : memref<16xf32, #tpu.memory_space<smem>>
    %add3A_229 = vector.broadcast %get3A_228 : f32 to vector<800x128xf32>
    %add3A_230 = arith.addf %add3A_226, %add3A_229 : vector<800x128xf32>
    %max3A_231 = arith.constant 0.000000e+00 : f32
    %max3A_232 = vector.broadcast %max3A_231 : f32 to vector<800x128xf32>
    %max3A_233 = arith.maximumf %add3A_230, %max3A_232 : vector<800x128xf32>
    %get3A_234 = arith.constant 5 : index
    %get3A_235 = arith.constant 0 : index
    %get3A_236 = memref.load %arg5[%get3A_234, %get3A_235] : memref<16x1xf32, #tpu.memory_space<smem>>
    %mul3A_237 = vector.broadcast %get3A_236 : f32 to vector<800x128xf32>
    %mul3A_238 = arith.mulf %max3A_233, %mul3A_237 : vector<800x128xf32>
    %add3A_239 = arith.addf %add3A_209, %mul3A_238 : vector<800x128xf32>
    %get3A_240 = arith.constant 0 : index
    %get3A_241 = arith.constant 6 : index
    %get3A_242 = memref.load %arg3[%get3A_240, %get3A_241] : memref<3x16xf32, #tpu.memory_space<smem>>
    %mul3A_243 = vector.broadcast %get3A_242 : f32 to vector<800x128xf32>
    %mul3A_244 = arith.mulf %mul3A, %mul3A_243 : vector<800x128xf32>
    %get3A_245 = arith.constant 1 : index
    %get3A_246 = arith.constant 6 : index
    %get3A_247 = memref.load %arg3[%get3A_245, %get3A_246] : memref<3x16xf32, #tpu.memory_space<smem>>
    %mul3A_248 = vector.broadcast %get3A_247 : f32 to vector<800x128xf32>
    %mul3A_249 = arith.mulf %mul3A_39, %mul3A_248 : vector<800x128xf32>
    %add3A_250 = arith.addf %mul3A_244, %mul3A_249 : vector<800x128xf32>
    %get3A_251 = arith.constant 2 : index
    %get3A_252 = arith.constant 6 : index
    %get3A_253 = memref.load %arg3[%get3A_251, %get3A_252] : memref<3x16xf32, #tpu.memory_space<smem>>
    %mul3A_254 = vector.broadcast %get3A_253 : f32 to vector<800x128xf32>
    %mul3A_255 = arith.mulf %mul3A_59, %mul3A_254 : vector<800x128xf32>
    %add3A_256 = arith.addf %add3A_250, %mul3A_255 : vector<800x128xf32>
    %get3A_257 = arith.constant 6 : index
    %get3A_258 = memref.load %arg4[%get3A_257] : memref<16xf32, #tpu.memory_space<smem>>
    %add3A_259 = vector.broadcast %get3A_258 : f32 to vector<800x128xf32>
    %add3A_260 = arith.addf %add3A_256, %add3A_259 : vector<800x128xf32>
    %max3A_261 = arith.constant 0.000000e+00 : f32
    %max3A_262 = vector.broadcast %max3A_261 : f32 to vector<800x128xf32>
    %max3A_263 = arith.maximumf %add3A_260, %max3A_262 : vector<800x128xf32>
    %get3A_264 = arith.constant 6 : index
    %get3A_265 = arith.constant 0 : index
    %get3A_266 = memref.load %arg5[%get3A_264, %get3A_265] : memref<16x1xf32, #tpu.memory_space<smem>>
    %mul3A_267 = vector.broadcast %get3A_266 : f32 to vector<800x128xf32>
    %mul3A_268 = arith.mulf %max3A_263, %mul3A_267 : vector<800x128xf32>
    %add3A_269 = arith.addf %add3A_239, %mul3A_268 : vector<800x128xf32>
    %get3A_270 = arith.constant 0 : index
    %get3A_271 = arith.constant 7 : index
    %get3A_272 = memref.load %arg3[%get3A_270, %get3A_271] : memref<3x16xf32, #tpu.memory_space<smem>>
    %mul3A_273 = vector.broadcast %get3A_272 : f32 to vector<800x128xf32>
    %mul3A_274 = arith.mulf %mul3A, %mul3A_273 : vector<800x128xf32>
    %get3A_275 = arith.constant 1 : index
    %get3A_276 = arith.constant 7 : index
    %get3A_277 = memref.load %arg3[%get3A_275, %get3A_276] : memref<3x16xf32, #tpu.memory_space<smem>>
    %mul3A_278 = vector.broadcast %get3A_277 : f32 to vector<800x128xf32>
    %mul3A_279 = arith.mulf %mul3A_39, %mul3A_278 : vector<800x128xf32>
    %add3A_280 = arith.addf %mul3A_274, %mul3A_279 : vector<800x128xf32>
    %get3A_281 = arith.constant 2 : index
    %get3A_282 = arith.constant 7 : index
    %get3A_283 = memref.load %arg3[%get3A_281, %get3A_282] : memref<3x16xf32, #tpu.memory_space<smem>>
    %mul3A_284 = vector.broadcast %get3A_283 : f32 to vector<800x128xf32>
    %mul3A_285 = arith.mulf %mul3A_59, %mul3A_284 : vector<800x128xf32>
    %add3A_286 = arith.addf %add3A_280, %mul3A_285 : vector<800x128xf32>
    %get3A_287 = arith.constant 7 : index
    %get3A_288 = memref.load %arg4[%get3A_287] : memref<16xf32, #tpu.memory_space<smem>>
    %add3A_289 = vector.broadcast %get3A_288 : f32 to vector<800x128xf32>
    %add3A_290 = arith.addf %add3A_286, %add3A_289 : vector<800x128xf32>
    %max3A_291 = arith.constant 0.000000e+00 : f32
    %max3A_292 = vector.broadcast %max3A_291 : f32 to vector<800x128xf32>
    %max3A_293 = arith.maximumf %add3A_290, %max3A_292 : vector<800x128xf32>
    %get3A_294 = arith.constant 7 : index
    %get3A_295 = arith.constant 0 : index
    %get3A_296 = memref.load %arg5[%get3A_294, %get3A_295] : memref<16x1xf32, #tpu.memory_space<smem>>
    %mul3A_297 = vector.broadcast %get3A_296 : f32 to vector<800x128xf32>
    %mul3A_298 = arith.mulf %max3A_293, %mul3A_297 : vector<800x128xf32>
    %add3A_299 = arith.addf %add3A_269, %mul3A_298 : vector<800x128xf32>
    %get3A_300 = arith.constant 0 : index
    %get3A_301 = arith.constant 8 : index
    %get3A_302 = memref.load %arg3[%get3A_300, %get3A_301] : memref<3x16xf32, #tpu.memory_space<smem>>
    %mul3A_303 = vector.broadcast %get3A_302 : f32 to vector<800x128xf32>
    %mul3A_304 = arith.mulf %mul3A, %mul3A_303 : vector<800x128xf32>
    %get3A_305 = arith.constant 1 : index
    %get3A_306 = arith.constant 8 : index
    %get3A_307 = memref.load %arg3[%get3A_305, %get3A_306] : memref<3x16xf32, #tpu.memory_space<smem>>
    %mul3A_308 = vector.broadcast %get3A_307 : f32 to vector<800x128xf32>
    %mul3A_309 = arith.mulf %mul3A_39, %mul3A_308 : vector<800x128xf32>
    %add3A_310 = arith.addf %mul3A_304, %mul3A_309 : vector<800x128xf32>
    %get3A_311 = arith.constant 2 : index
    %get3A_312 = arith.constant 8 : index
    %get3A_313 = memref.load %arg3[%get3A_311, %get3A_312] : memref<3x16xf32, #tpu.memory_space<smem>>
    %mul3A_314 = vector.broadcast %get3A_313 : f32 to vector<800x128xf32>
    %mul3A_315 = arith.mulf %mul3A_59, %mul3A_314 : vector<800x128xf32>
    %add3A_316 = arith.addf %add3A_310, %mul3A_315 : vector<800x128xf32>
    %get3A_317 = arith.constant 8 : index
    %get3A_318 = memref.load %arg4[%get3A_317] : memref<16xf32, #tpu.memory_space<smem>>
    %add3A_319 = vector.broadcast %get3A_318 : f32 to vector<800x128xf32>
    %add3A_320 = arith.addf %add3A_316, %add3A_319 : vector<800x128xf32>
    %max3A_321 = arith.constant 0.000000e+00 : f32
    %max3A_322 = vector.broadcast %max3A_321 : f32 to vector<800x128xf32>
    %max3A_323 = arith.maximumf %add3A_320, %max3A_322 : vector<800x128xf32>
    %get3A_324 = arith.constant 8 : index
    %get3A_325 = arith.constant 0 : index
    %get3A_326 = memref.load %arg5[%get3A_324, %get3A_325] : memref<16x1xf32, #tpu.memory_space<smem>>
    %mul3A_327 = vector.broadcast %get3A_326 : f32 to vector<800x128xf32>
    %mul3A_328 = arith.mulf %max3A_323, %mul3A_327 : vector<800x128xf32>
    %add3A_329 = arith.addf %add3A_299, %mul3A_328 : vector<800x128xf32>
    %get3A_330 = arith.constant 0 : index
    %get3A_331 = arith.constant 9 : index
    %get3A_332 = memref.load %arg3[%get3A_330, %get3A_331] : memref<3x16xf32, #tpu.memory_space<smem>>
    %mul3A_333 = vector.broadcast %get3A_332 : f32 to vector<800x128xf32>
    %mul3A_334 = arith.mulf %mul3A, %mul3A_333 : vector<800x128xf32>
    %get3A_335 = arith.constant 1 : index
    %get3A_336 = arith.constant 9 : index
    %get3A_337 = memref.load %arg3[%get3A_335, %get3A_336] : memref<3x16xf32, #tpu.memory_space<smem>>
    %mul3A_338 = vector.broadcast %get3A_337 : f32 to vector<800x128xf32>
    %mul3A_339 = arith.mulf %mul3A_39, %mul3A_338 : vector<800x128xf32>
    %add3A_340 = arith.addf %mul3A_334, %mul3A_339 : vector<800x128xf32>
    %get3A_341 = arith.constant 2 : index
    %get3A_342 = arith.constant 9 : index
    %get3A_343 = memref.load %arg3[%get3A_341, %get3A_342] : memref<3x16xf32, #tpu.memory_space<smem>>
    %mul3A_344 = vector.broadcast %get3A_343 : f32 to vector<800x128xf32>
    %mul3A_345 = arith.mulf %mul3A_59, %mul3A_344 : vector<800x128xf32>
    %add3A_346 = arith.addf %add3A_340, %mul3A_345 : vector<800x128xf32>
    %get3A_347 = arith.constant 9 : index
    %get3A_348 = memref.load %arg4[%get3A_347] : memref<16xf32, #tpu.memory_space<smem>>
    %add3A_349 = vector.broadcast %get3A_348 : f32 to vector<800x128xf32>
    %add3A_350 = arith.addf %add3A_346, %add3A_349 : vector<800x128xf32>
    %max3A_351 = arith.constant 0.000000e+00 : f32
    %max3A_352 = vector.broadcast %max3A_351 : f32 to vector<800x128xf32>
    %max3A_353 = arith.maximumf %add3A_350, %max3A_352 : vector<800x128xf32>
    %get3A_354 = arith.constant 9 : index
    %get3A_355 = arith.constant 0 : index
    %get3A_356 = memref.load %arg5[%get3A_354, %get3A_355] : memref<16x1xf32, #tpu.memory_space<smem>>
    %mul3A_357 = vector.broadcast %get3A_356 : f32 to vector<800x128xf32>
    %mul3A_358 = arith.mulf %max3A_353, %mul3A_357 : vector<800x128xf32>
    %add3A_359 = arith.addf %add3A_329, %mul3A_358 : vector<800x128xf32>
    %get3A_360 = arith.constant 0 : index
    %get3A_361 = arith.constant 10 : index
    %get3A_362 = memref.load %arg3[%get3A_360, %get3A_361] : memref<3x16xf32, #tpu.memory_space<smem>>
    %mul3A_363 = vector.broadcast %get3A_362 : f32 to vector<800x128xf32>
    %mul3A_364 = arith.mulf %mul3A, %mul3A_363 : vector<800x128xf32>
    %get3A_365 = arith.constant 1 : index
    %get3A_366 = arith.constant 10 : index
    %get3A_367 = memref.load %arg3[%get3A_365, %get3A_366] : memref<3x16xf32, #tpu.memory_space<smem>>
    %mul3A_368 = vector.broadcast %get3A_367 : f32 to vector<800x128xf32>
    %mul3A_369 = arith.mulf %mul3A_39, %mul3A_368 : vector<800x128xf32>
    %add3A_370 = arith.addf %mul3A_364, %mul3A_369 : vector<800x128xf32>
    %get3A_371 = arith.constant 2 : index
    %get3A_372 = arith.constant 10 : index
    %get3A_373 = memref.load %arg3[%get3A_371, %get3A_372] : memref<3x16xf32, #tpu.memory_space<smem>>
    %mul3A_374 = vector.broadcast %get3A_373 : f32 to vector<800x128xf32>
    %mul3A_375 = arith.mulf %mul3A_59, %mul3A_374 : vector<800x128xf32>
    %add3A_376 = arith.addf %add3A_370, %mul3A_375 : vector<800x128xf32>
    %get3A_377 = arith.constant 10 : index
    %get3A_378 = memref.load %arg4[%get3A_377] : memref<16xf32, #tpu.memory_space<smem>>
    %add3A_379 = vector.broadcast %get3A_378 : f32 to vector<800x128xf32>
    %add3A_380 = arith.addf %add3A_376, %add3A_379 : vector<800x128xf32>
    %max3A_381 = arith.constant 0.000000e+00 : f32
    %max3A_382 = vector.broadcast %max3A_381 : f32 to vector<800x128xf32>
    %max3A_383 = arith.maximumf %add3A_380, %max3A_382 : vector<800x128xf32>
    %get3A_384 = arith.constant 10 : index
    %get3A_385 = arith.constant 0 : index
    %get3A_386 = memref.load %arg5[%get3A_384, %get3A_385] : memref<16x1xf32, #tpu.memory_space<smem>>
    %mul3A_387 = vector.broadcast %get3A_386 : f32 to vector<800x128xf32>
    %mul3A_388 = arith.mulf %max3A_383, %mul3A_387 : vector<800x128xf32>
    %add3A_389 = arith.addf %add3A_359, %mul3A_388 : vector<800x128xf32>
    %get3A_390 = arith.constant 0 : index
    %get3A_391 = arith.constant 11 : index
    %get3A_392 = memref.load %arg3[%get3A_390, %get3A_391] : memref<3x16xf32, #tpu.memory_space<smem>>
    %mul3A_393 = vector.broadcast %get3A_392 : f32 to vector<800x128xf32>
    %mul3A_394 = arith.mulf %mul3A, %mul3A_393 : vector<800x128xf32>
    %get3A_395 = arith.constant 1 : index
    %get3A_396 = arith.constant 11 : index
    %get3A_397 = memref.load %arg3[%get3A_395, %get3A_396] : memref<3x16xf32, #tpu.memory_space<smem>>
    %mul3A_398 = vector.broadcast %get3A_397 : f32 to vector<800x128xf32>
    %mul3A_399 = arith.mulf %mul3A_39, %mul3A_398 : vector<800x128xf32>
    %add3A_400 = arith.addf %mul3A_394, %mul3A_399 : vector<800x128xf32>
    %get3A_401 = arith.constant 2 : index
    %get3A_402 = arith.constant 11 : index
    %get3A_403 = memref.load %arg3[%get3A_401, %get3A_402] : memref<3x16xf32, #tpu.memory_space<smem>>
    %mul3A_404 = vector.broadcast %get3A_403 : f32 to vector<800x128xf32>
    %mul3A_405 = arith.mulf %mul3A_59, %mul3A_404 : vector<800x128xf32>
    %add3A_406 = arith.addf %add3A_400, %mul3A_405 : vector<800x128xf32>
    %get3A_407 = arith.constant 11 : index
    %get3A_408 = memref.load %arg4[%get3A_407] : memref<16xf32, #tpu.memory_space<smem>>
    %add3A_409 = vector.broadcast %get3A_408 : f32 to vector<800x128xf32>
    %add3A_410 = arith.addf %add3A_406, %add3A_409 : vector<800x128xf32>
    %max3A_411 = arith.constant 0.000000e+00 : f32
    %max3A_412 = vector.broadcast %max3A_411 : f32 to vector<800x128xf32>
    %max3A_413 = arith.maximumf %add3A_410, %max3A_412 : vector<800x128xf32>
    %get3A_414 = arith.constant 11 : index
    %get3A_415 = arith.constant 0 : index
    %get3A_416 = memref.load %arg5[%get3A_414, %get3A_415] : memref<16x1xf32, #tpu.memory_space<smem>>
    %mul3A_417 = vector.broadcast %get3A_416 : f32 to vector<800x128xf32>
    %mul3A_418 = arith.mulf %max3A_413, %mul3A_417 : vector<800x128xf32>
    %add3A_419 = arith.addf %add3A_389, %mul3A_418 : vector<800x128xf32>
    %get3A_420 = arith.constant 0 : index
    %get3A_421 = arith.constant 12 : index
    %get3A_422 = memref.load %arg3[%get3A_420, %get3A_421] : memref<3x16xf32, #tpu.memory_space<smem>>
    %mul3A_423 = vector.broadcast %get3A_422 : f32 to vector<800x128xf32>
    %mul3A_424 = arith.mulf %mul3A, %mul3A_423 : vector<800x128xf32>
    %get3A_425 = arith.constant 1 : index
    %get3A_426 = arith.constant 12 : index
    %get3A_427 = memref.load %arg3[%get3A_425, %get3A_426] : memref<3x16xf32, #tpu.memory_space<smem>>
    %mul3A_428 = vector.broadcast %get3A_427 : f32 to vector<800x128xf32>
    %mul3A_429 = arith.mulf %mul3A_39, %mul3A_428 : vector<800x128xf32>
    %add3A_430 = arith.addf %mul3A_424, %mul3A_429 : vector<800x128xf32>
    %get3A_431 = arith.constant 2 : index
    %get3A_432 = arith.constant 12 : index
    %get3A_433 = memref.load %arg3[%get3A_431, %get3A_432] : memref<3x16xf32, #tpu.memory_space<smem>>
    %mul3A_434 = vector.broadcast %get3A_433 : f32 to vector<800x128xf32>
    %mul3A_435 = arith.mulf %mul3A_59, %mul3A_434 : vector<800x128xf32>
    %add3A_436 = arith.addf %add3A_430, %mul3A_435 : vector<800x128xf32>
    %get3A_437 = arith.constant 12 : index
    %get3A_438 = memref.load %arg4[%get3A_437] : memref<16xf32, #tpu.memory_space<smem>>
    %add3A_439 = vector.broadcast %get3A_438 : f32 to vector<800x128xf32>
    %add3A_440 = arith.addf %add3A_436, %add3A_439 : vector<800x128xf32>
    %max3A_441 = arith.constant 0.000000e+00 : f32
    %max3A_442 = vector.broadcast %max3A_441 : f32 to vector<800x128xf32>
    %max3A_443 = arith.maximumf %add3A_440, %max3A_442 : vector<800x128xf32>
    %get3A_444 = arith.constant 12 : index
    %get3A_445 = arith.constant 0 : index
    %get3A_446 = memref.load %arg5[%get3A_444, %get3A_445] : memref<16x1xf32, #tpu.memory_space<smem>>
    %mul3A_447 = vector.broadcast %get3A_446 : f32 to vector<800x128xf32>
    %mul3A_448 = arith.mulf %max3A_443, %mul3A_447 : vector<800x128xf32>
    %add3A_449 = arith.addf %add3A_419, %mul3A_448 : vector<800x128xf32>
    %get3A_450 = arith.constant 0 : index
    %get3A_451 = arith.constant 13 : index
    %get3A_452 = memref.load %arg3[%get3A_450, %get3A_451] : memref<3x16xf32, #tpu.memory_space<smem>>
    %mul3A_453 = vector.broadcast %get3A_452 : f32 to vector<800x128xf32>
    %mul3A_454 = arith.mulf %mul3A, %mul3A_453 : vector<800x128xf32>
    %get3A_455 = arith.constant 1 : index
    %get3A_456 = arith.constant 13 : index
    %get3A_457 = memref.load %arg3[%get3A_455, %get3A_456] : memref<3x16xf32, #tpu.memory_space<smem>>
    %mul3A_458 = vector.broadcast %get3A_457 : f32 to vector<800x128xf32>
    %mul3A_459 = arith.mulf %mul3A_39, %mul3A_458 : vector<800x128xf32>
    %add3A_460 = arith.addf %mul3A_454, %mul3A_459 : vector<800x128xf32>
    %get3A_461 = arith.constant 2 : index
    %get3A_462 = arith.constant 13 : index
    %get3A_463 = memref.load %arg3[%get3A_461, %get3A_462] : memref<3x16xf32, #tpu.memory_space<smem>>
    %mul3A_464 = vector.broadcast %get3A_463 : f32 to vector<800x128xf32>
    %mul3A_465 = arith.mulf %mul3A_59, %mul3A_464 : vector<800x128xf32>
    %add3A_466 = arith.addf %add3A_460, %mul3A_465 : vector<800x128xf32>
    %get3A_467 = arith.constant 13 : index
    %get3A_468 = memref.load %arg4[%get3A_467] : memref<16xf32, #tpu.memory_space<smem>>
    %add3A_469 = vector.broadcast %get3A_468 : f32 to vector<800x128xf32>
    %add3A_470 = arith.addf %add3A_466, %add3A_469 : vector<800x128xf32>
    %max3A_471 = arith.constant 0.000000e+00 : f32
    %max3A_472 = vector.broadcast %max3A_471 : f32 to vector<800x128xf32>
    %max3A_473 = arith.maximumf %add3A_470, %max3A_472 : vector<800x128xf32>
    %get3A_474 = arith.constant 13 : index
    %get3A_475 = arith.constant 0 : index
    %get3A_476 = memref.load %arg5[%get3A_474, %get3A_475] : memref<16x1xf32, #tpu.memory_space<smem>>
    %mul3A_477 = vector.broadcast %get3A_476 : f32 to vector<800x128xf32>
    %mul3A_478 = arith.mulf %max3A_473, %mul3A_477 : vector<800x128xf32>
    %add3A_479 = arith.addf %add3A_449, %mul3A_478 : vector<800x128xf32>
    %get3A_480 = arith.constant 0 : index
    %get3A_481 = arith.constant 14 : index
    %get3A_482 = memref.load %arg3[%get3A_480, %get3A_481] : memref<3x16xf32, #tpu.memory_space<smem>>
    %mul3A_483 = vector.broadcast %get3A_482 : f32 to vector<800x128xf32>
    %mul3A_484 = arith.mulf %mul3A, %mul3A_483 : vector<800x128xf32>
    %get3A_485 = arith.constant 1 : index
    %get3A_486 = arith.constant 14 : index
    %get3A_487 = memref.load %arg3[%get3A_485, %get3A_486] : memref<3x16xf32, #tpu.memory_space<smem>>
    %mul3A_488 = vector.broadcast %get3A_487 : f32 to vector<800x128xf32>
    %mul3A_489 = arith.mulf %mul3A_39, %mul3A_488 : vector<800x128xf32>
    %add3A_490 = arith.addf %mul3A_484, %mul3A_489 : vector<800x128xf32>
    %get3A_491 = arith.constant 2 : index
    %get3A_492 = arith.constant 14 : index
    %get3A_493 = memref.load %arg3[%get3A_491, %get3A_492] : memref<3x16xf32, #tpu.memory_space<smem>>
    %mul3A_494 = vector.broadcast %get3A_493 : f32 to vector<800x128xf32>
    %mul3A_495 = arith.mulf %mul3A_59, %mul3A_494 : vector<800x128xf32>
    %add3A_496 = arith.addf %add3A_490, %mul3A_495 : vector<800x128xf32>
    %get3A_497 = arith.constant 14 : index
    %get3A_498 = memref.load %arg4[%get3A_497] : memref<16xf32, #tpu.memory_space<smem>>
    %add3A_499 = vector.broadcast %get3A_498 : f32 to vector<800x128xf32>
    %add3A_500 = arith.addf %add3A_496, %add3A_499 : vector<800x128xf32>
    %max3A_501 = arith.constant 0.000000e+00 : f32
    %max3A_502 = vector.broadcast %max3A_501 : f32 to vector<800x128xf32>
    %max3A_503 = arith.maximumf %add3A_500, %max3A_502 : vector<800x128xf32>
    %get3A_504 = arith.constant 14 : index
    %get3A_505 = arith.constant 0 : index
    %get3A_506 = memref.load %arg5[%get3A_504, %get3A_505] : memref<16x1xf32, #tpu.memory_space<smem>>
    %mul3A_507 = vector.broadcast %get3A_506 : f32 to vector<800x128xf32>
    %mul3A_508 = arith.mulf %max3A_503, %mul3A_507 : vector<800x128xf32>
    %add3A_509 = arith.addf %add3A_479, %mul3A_508 : vector<800x128xf32>
    %get3A_510 = arith.constant 0 : index
    %get3A_511 = arith.constant 15 : index
    %get3A_512 = memref.load %arg3[%get3A_510, %get3A_511] : memref<3x16xf32, #tpu.memory_space<smem>>
    %mul3A_513 = vector.broadcast %get3A_512 : f32 to vector<800x128xf32>
    %mul3A_514 = arith.mulf %mul3A, %mul3A_513 : vector<800x128xf32>
    %get3A_515 = arith.constant 1 : index
    %get3A_516 = arith.constant 15 : index
    %get3A_517 = memref.load %arg3[%get3A_515, %get3A_516] : memref<3x16xf32, #tpu.memory_space<smem>>
    %mul3A_518 = vector.broadcast %get3A_517 : f32 to vector<800x128xf32>
    %mul3A_519 = arith.mulf %mul3A_39, %mul3A_518 : vector<800x128xf32>
    %add3A_520 = arith.addf %mul3A_514, %mul3A_519 : vector<800x128xf32>
    %get3A_521 = arith.constant 2 : index
    %get3A_522 = arith.constant 15 : index
    %get3A_523 = memref.load %arg3[%get3A_521, %get3A_522] : memref<3x16xf32, #tpu.memory_space<smem>>
    %mul3A_524 = vector.broadcast %get3A_523 : f32 to vector<800x128xf32>
    %mul3A_525 = arith.mulf %mul3A_59, %mul3A_524 : vector<800x128xf32>
    %add3A_526 = arith.addf %add3A_520, %mul3A_525 : vector<800x128xf32>
    %get3A_527 = arith.constant 15 : index
    %get3A_528 = memref.load %arg4[%get3A_527] : memref<16xf32, #tpu.memory_space<smem>>
    %add3A_529 = vector.broadcast %get3A_528 : f32 to vector<800x128xf32>
    %add3A_530 = arith.addf %add3A_526, %add3A_529 : vector<800x128xf32>
    %max3A_531 = arith.constant 0.000000e+00 : f32
    %max3A_532 = vector.broadcast %max3A_531 : f32 to vector<800x128xf32>
    %max3A_533 = arith.maximumf %add3A_530, %max3A_532 : vector<800x128xf32>
    %get3A_534 = arith.constant 15 : index
    %get3A_535 = arith.constant 0 : index
    %get3A_536 = memref.load %arg5[%get3A_534, %get3A_535] : memref<16x1xf32, #tpu.memory_space<smem>>
    %mul3A_537 = vector.broadcast %get3A_536 : f32 to vector<800x128xf32>
    %mul3A_538 = arith.mulf %max3A_533, %mul3A_537 : vector<800x128xf32>
    %add3A_539 = arith.addf %add3A_509, %mul3A_538 : vector<800x128xf32>
    %mul3A_540 = arith.mulf %add3A_539, %get3A_1 : vector<800x128xf32>
    %swap3A = arith.constant 0 : index
    %swap3A_541 = arith.constant 0 : index
    %swap3A_542 = vector.load %arg6[%swap3A, %swap3A_541] : memref<800x128xf32, #tpu.memory_space<vmem>>, vector<800x128xf32>
    tpu.vector_store %arg6[%swap3A, %swap3A_541], %mul3A_540 {strides = array<i32>} : memref<800x128xf32, #tpu.memory_space<vmem>>, vector<800x128xf32>,
    return
  }
}

module attributes {stable_mosaic.version = 14 : i64} {
  func.func @_tc_final_body(%arg0: memref<2x800x128xf32, #tpu.memory_space<vmem>>, %arg1: memref<800x128xf32, #tpu.memory_space<vmem>>, %arg2: memref<800x128xf32, #tpu.memory_space<vmem>>, %arg3: memref<1xf32, #tpu.memory_space<smem>>, %arg4: memref<800x128xf32, #tpu.memory_space<vmem>>) attributes {dimension_semantics = [], scalar_prefetch = 0 : i64, scratch_operands = 0 : i64, tpu.core_type = #tpu.core_type<tc>} {
    %get3A = arith.constant 0 : index
    %get3A_0 = arith.constant 0 : index
    %get3A_1 = arith.constant 0 : index
    %get3A_2 = vector.load %arg0[%get3A, %get3A_0, %get3A_1] : memref<2x800x128xf32, #tpu.memory_space<vmem>>, vector<1x800x128xf32>
    %get3A_3 = vector.shape_cast %get3A_2 : vector<1x800x128xf32> to vector<800x128xf32>
    %get3A_4 = arith.constant 1 : index
    %get3A_5 = arith.constant 0 : index
    %get3A_6 = arith.constant 0 : index
    %get3A_7 = vector.load %arg0[%get3A_4, %get3A_5, %get3A_6] : memref<2x800x128xf32, #tpu.memory_space<vmem>>, vector<1x800x128xf32>
    %get3A_8 = vector.shape_cast %get3A_7 : vector<1x800x128xf32> to vector<800x128xf32>
    %add3A = arith.addf %get3A_3, %get3A_8 : vector<800x128xf32>
    %get3A_9 = arith.constant 0 : index
    %get3A_10 = arith.constant 0 : index
    %get3A_11 = vector.load %arg1[%get3A_9, %get3A_10] : memref<800x128xf32, #tpu.memory_space<vmem>>, vector<800x128xf32>
    %add3A_12 = arith.addf %add3A, %get3A_11 : vector<800x128xf32>
    %get3A_13 = arith.constant 0 : index
    %get3A_14 = arith.constant 0 : index
    %get3A_15 = vector.load %arg2[%get3A_13, %get3A_14] : memref<800x128xf32, #tpu.memory_space<vmem>>, vector<800x128xf32>
    %mul3A = arith.mulf %add3A_12, %get3A_15 : vector<800x128xf32>
    %get3A_16 = arith.constant 0 : index
    %get3A_17 = memref.load %arg3[%get3A_16] : memref<1xf32, #tpu.memory_space<smem>>
    %add3A_18 = vector.broadcast %get3A_17 : f32 to vector<800x128xf32>
    %add3A_19 = arith.addf %mul3A, %add3A_18 : vector<800x128xf32>
    %swap3A = arith.constant 0 : index
    %swap3A_20 = arith.constant 0 : index
    %swap3A_21 = vector.load %arg4[%swap3A, %swap3A_20] : memref<800x128xf32, #tpu.memory_space<vmem>>, vector<800x128xf32>
    tpu.vector_store %arg4[%swap3A, %swap3A_20], %add3A_19 {strides = array<i32>} : memref<800x128xf32, #tpu.memory_space<vmem>>, vector<800x128xf32>,
    return
  }
}

</mosaic_0001>

<sc_bundles>
// kernel: kernel.11.cloned.1.call-start
scs
__scs_entry_jumppad:
0x0: {  	(pc) =	sbr.rel $0x88, $3  }
0x1: {  	(tag) =	ssettag $0x0;
	lr =	simm.s32 $0x1  }
0x2: {  	[smem:$0x3F9B] =	sst lr;
	_ =	strace $0xD0000000  }
0x3: {  	_ = 	snop  }
0x4: {  	_ = 	snop  }
0x5: {  	_ = 	snop  }
0x6: {  	_ = 	snop  }
0x7: {  	_ = 	snop  }
__scs_overlays_trampoline_lowered:
0x8: {  	[smem:$0x3FAA] =	sst s0  }
0x9: {  	[smem:$0x3FAB] =	sst s1  }
0xa: {  	[smem:$0x3FAC] =	sst s2  }
0xb: {  	[smem:$0x3FAD] =	sst s3  }
0xc: {  	[smem:$0x3FAE] =	sst s4  }
0xd: {  	[smem:$0x3FAF] =	sst s5  }
0xe: {  	[smem:$0x3FB0] =	sst s6  }
0xf: {  	[smem:$0x3FB1] =	sst s7  }
0x10: {  	[smem:$0x3FB2] =	sst s8  }
0x11: {  	[smem:$0x3FB3] =	sst s9;
	s0 =	simm.s32 @!p0 $0x0  }
0x12: {  	s1 =	sld [smem:$0x3F99];
	s0 =	simm.s32 @p0 $0x1  }
0x13: {  	[smem:$0x3FB4] =	sst s0;
	s0 =	simm.s32 @!p1 $0x0  }
0x14: {  	s2 =	sld [smem:$0x3F98];
	s0 =	simm.s32 @p1 $0x1  }
0x15: {  	[smem:$0x3FB5] =	sst s0;
	s0 =	simm.s32 @!p2 $0x0  }
0x16: {  	s3 =	sld [smem:$0x3FDB];
	s0 =	simm.s32 @p2 $0x1  }
0x17: {  	s4 =	simm.s32 $0x1BF5;
	[smem:$0x3FB7] =	sst s0  }
0x18: {  	s0 =	sld [smem:$0x3F9A];
	_ =	swait.ge [sflag:s4], $0x0  }
0x19: {  	s7 =	sld [smem:$0x3F9B]  }
0x1a: {  	s8 =	sadd.s32 $0xFFFFE003, lr  }
0x1b: {  	s9 =	sadd.s32 $0xFFFFFEF7, lr;
	s5 =	simm.s32 $0xFFFFFFFF;
	p2 =	slt.u32 s8, $0xFFFFF086  }
0x1c: {  	p1 =	slt.u32 s9, $0xF7A;
	s5 =	simm.s32 @!p2 $0x0  }
0x1d: {  	s5 =	simm.s32 @p1 $0x1;
	p0 =	seq.s32 s7, s2  }
0x1e: {  	s7 =	smul.u32 @!p0 $0xF7A, s2;
	p2 =	seq.s32 @!p0 s5, $0x0  }
0x1f: {  	s9 =	smul.u32 $0xF7A, s1;
	s8 =	simm.s32 @!p0 $0x1BF5;
	p2 =	por !p2, p0  }
0x20: {  	[sflag:s8] =	ssyncset.s32 @!p0 $0xFFFFF086;
	s6 =	sadd.s32 @!p0 s3, s7;
	s7 =	simm.s32 @!p0 $0x108  }
0x21: {  	s3 =	sadd.s32 s3, s9;
	s6 =	sadd.s32 @!p0 $0x88, s6;
	s7 =	simm.s32 @p2 $0x1082  }
0x22: {  	[simem:s7], [sflag:s8] =	dma.local @!p0 [hbm:s6], $0xF7A  }
0x23: {  	s9 =	sor.u32 $0xD0000000, s2;
	s6 =	simm.s32 $0x108;
	_ =	swait.ge @!p0 [sflag:s8], $0x0  }
0x24: {  	s3 =	sadd.s32 $0x88, s3;
	s6 =	simm.s32 @!p1 $0x1082;
	[sflag:s4] =	ssyncset.s32 $0xFFFFF086  }
0x25: {  	[simem:s6], [sflag:s4] =	dma.local [hbm:s3], $0xF7A  }
0x26: {  	[smem:$0x3F9B] =	sst s1;
	(tag) =	ssettag s2;
	_ =	strace s9  }
0x27: {  	s1 =	sld [smem:$0x3FAB]  }
0x28: {  	s2 =	sld [smem:$0x3FAC]  }
0x29: {  	s4 =	sld [smem:$0x3FAE]  }
0x2a: {  	p0 =	seq.s32 s5, $0x0;
	s5 =	sld [smem:$0x3FAF]  }
0x2b: {  	s6 =	sld [smem:$0x3FB0]  }
0x2c: {  	s7 =	sld [smem:$0x3FB1]  }
0x2d: {  	s3 =	simm.s32 $0x108;
	s8 =	sld [smem:$0x3FB2]  }
0x2e: {  	s3 =	simm.s32 @!p0 $0x1082;
	s9 =	sld [smem:$0x3FB3]  }
0x2f: {  	lr =	sadd.s32 s0, s3;
	s0 =	sld [smem:$0x3FAA]  }
0x30: {  	s3 =	sld [smem:$0x3FAD]  }
0x31: {  	[smem:$0x3FB6] =	sst s10  }
0x32: {  	s10 =	sld [smem:$0x3FB4];
	_ =	sdelay $0x3  }
0x33: {  	p0 =	seq.s32 s10, $0x1;
	s10 =	sld [smem:$0x3FB6];
	_ =	sdelay $0x3  }
0x34: {  	[smem:$0x3FB6] =	sst s10  }
0x35: {  	s10 =	sld [smem:$0x3FB5];
	_ =	sdelay $0x3  }
0x36: {  	p1 =	seq.s32 s10, $0x1;
	s10 =	sld [smem:$0x3FB6];
	_ =	sdelay $0x3  }
0x37: {  	[smem:$0x3FB6] =	sst s10  }
0x38: {  	s10 =	sld [smem:$0x3FB7]  }
0x39: {  	_ = 	snop;
	(pc) =	sbr.ind lr, $3  }
0x3a: {  	_ = 	snop  }
0x3b: {  	_ = 	snop  }
0x3c: {  	p2 =	seq.s32 s10, $0x1;
	s10 =	sld [smem:$0x3FB6]  }
0x3d: {  	_ =	shalt  }
0x3e: {  	_ =	shalt  }
0x3f: {  	_ =	shalt  }
0x40: {  	_ =	shalt  }
0x41: {  	_ =	shalt  }
0x42: {  	_ =	shalt  }
0x43: {  	_ =	shalt  }
0x44: {  	_ =	shalt  }
0x45: {  	_ =	shalt  }
0x46: {  	_ =	shalt  }
0x47: {  	_ =	shalt  }
0x48: {  	_ =	shalt  }
0x49: {  	_ =	shalt  }
0x4a: {  	_ =	shalt  }
0x4b: {  	_ =	shalt  }
0x4c: {  	_ =	shalt  }
0x4d: {  	_ =	shalt  }
0x4e: {  	_ =	shalt  }
0x4f: {  	_ =	shalt  }
0x50: {  	_ =	shalt  }
0x51: {  	_ =	shalt  }
0x52: {  	_ =	shalt  }
0x53: {  	_ =	shalt  }
0x54: {  	_ =	shalt  }
0x55: {  	_ =	shalt  }
0x56: {  	_ =	shalt  }
0x57: {  	_ =	shalt  }
0x58: {  	_ =	shalt  }
0x59: {  	_ =	shalt  }
0x5a: {  	_ =	shalt  }
0x5b: {  	_ =	shalt  }
0x5c: {  	_ =	shalt  }
0x5d: {  	_ =	shalt  }
0x5e: {  	_ =	shalt  }
0x5f: {  	_ =	shalt  }
0x60: {  	_ =	shalt  }
0x61: {  	_ =	shalt  }
0x62: {  	_ =	shalt  }
0x63: {  	_ =	shalt  }
0x64: {  	_ =	shalt  }
0x65: {  	_ =	shalt  }
0x66: {  	_ =	shalt  }
0x67: {  	_ =	shalt  }
0x68: {  	_ =	shalt  }
0x69: {  	_ =	shalt  }
0x6a: {  	_ =	shalt  }
0x6b: {  	_ =	shalt  }
0x6c: {  	_ =	shalt  }
0x6d: {  	_ =	shalt  }
0x6e: {  	_ =	shalt  }
0x6f: {  	_ =	shalt  }
0x70: {  	_ =	shalt  }
0x71: {  	_ =	shalt  }
0x72: {  	_ =	shalt  }
0x73: {  	_ =	shalt  }
0x74: {  	_ =	shalt  }
0x75: {  	_ =	shalt  }
0x76: {  	_ =	shalt  }
0x77: {  	_ =	shalt  }
0x78: {  	_ =	shalt  }
0x79: {  	_ =	shalt  }
0x7a: {  	_ =	shalt  }
0x7b: {  	_ =	shalt  }
0x7c: {  	_ =	shalt  }
0x7d: {  	_ =	shalt  }
0x7e: {  	_ =	shalt  }
0x7f: {  	_ =	shalt  }
0x80: {  	_ =	shalt  }
0x81: {  	_ =	shalt  }
0x82: {  	_ =	shalt  }
0x83: {  	_ =	shalt  }
0x84: {  	_ =	shalt  }
0x85: {  	_ =	shalt  }
0x86: {  	_ =	shalt  }
0x87: {  	_ =	shalt  }
.Lfunc_end0:
.L_simem_size_0:
called_computation.1_lowered:
.L_overlay_start_0:
0x88: {  	s2 =	sld [smem:$0x3FD9]  }
0x89: {  	s3 =	sld [smem:$0x3FFE];
	_ =	sdelay $0x1  }
0x8a: {  	s1 =	srdreg.scid  }
0x8b: {  	s0 =	sand.u32 $0x1, s1  }
0x8c: {  	s16 =	sshll.u32 s0, $0xA;
	s2 =	sadd.s32 s3, s2  }
0x8d: {  	s2 =	sadd.s32 s2, s16  }
0x8e: {  	[smem:$0x3FC2] =	sst s2  }
0x8f: {  	_ = 	snop  }
0x90: {  	(tm) =	ssettm $0x1  }
0x91: {  	s17 =	sld [smem:$0x3FFB];
	_ =	sdelay $0x3  }
0x92: {  	_ =	strace s17  }
0x93: {  	s2 =	sld [smem:$0x3FFC];
	_ =	sdelay $0x3  }
0x94: {  	_ =	strace s2  }
0x95: {  	s2 =	sld [smem:$0x3FFD];
	_ =	sdelay $0x3  }
0x96: {  	_ =	strace s2  }
0x97: {  	_ =	strace $0x8FFFFFFF  }
0x98: {  	s18 =	sld [smem:$0x3FDB];
	_ =	sdelay $0x1  }
0x99: {  	s19 =	simm.s32 $_scs_section_size  }
0x9a: {  	s4 =	simm.s32 $_size__tile_overlayer_lowered;
	s5 =	simm.s32 $_tile_overlayer_lowered  }
0x9b: {  	s22 =	simm.s32 $0x1BFF;
	s21 =	sshll.u32 s5, $0x1;
	s2 =	sadd.s32 s19, s18  }
0x9c: {  	s6 =	simm.s32 $0x0;
	s20 =	sshll.u32 s4, $0x1;
	s4 =	sadd.s32 s21, s2  }
0x9d: {  	[timem:s6], [sflag:s22] =	dma.local [hbm:s4], s20  }
0x9e: {  	_ =	swait.ge [sflag:s22], s20  }
0x9f: {  	s3 =	ssub.s32 $0x0, s20;
	[sflag:s22] =	ssyncset.done $0x0  }
0xa0: {  	[sflag:s22] =	ssyncadd.s32 s3;
	_ =	sdelay $0x1  }
0xa1: {  	s23 =	simm.s32 $0x1B8B  }
0xa2: {  	_ =	swait.ge [sflag:s23], $0x1  }
0xa3: {  	[sflag:s23] =	ssyncset.done $0x0  }
0xa4: {  	s25 =	simm.s32 $0x1B8E;
	s24 =	sld [smem:$0x3FFE];
	[sflag:s23] =	ssyncadd.s32 $0xFFFFFFFF  }
0xa5: {  	s26 =	simm.s32 $execute0_lowered;
	[smem:$0x3FD2] =	sst s25  }
0xa6: {  	s4 =	sshll.u32 s26, $0x1;
	_ =	strace $0x80000049;
	[dreg:$0x1] =	wrdreg $0xFFFFFFFF  }
0xa7: {  	s28 =	simm.s32 $_size_execute0_lowered;
	s2 =	sadd.s32 s2, s4;
	[dreg:$0x0] =	wrdreg $0x0  }
0xa8: {  	s4 =	sshll.u32 s28, $0x1;
	[dreg:$0x2] =	wrdreg s2  }
0xa9: {  	[dreg:$0x3] =	wrdreg s4  }
0xaa: {  	[dreg:$0x4] =	wrdreg $0xC0  }
0xab: {  	_ =	task [dreg:s6], $0x5FFFF  }
0xac: {  	[dreg:$0x1] =	wrdreg $0xFFFFFFFF  }
0xad: {  	[dreg:$0x0] =	wrdreg $0x60  }
0xae: {  	[dreg:$0x2] =	wrdreg s24  }
0xaf: {  	[dreg:$0x3] =	wrdreg $0x104000  }
0xb0: {  	[dreg:$0x4] =	wrdreg $0x11D000  }
0xb1: {  	[dreg:$0x5] =	wrdreg $0x136000  }
0xb2: {  	[dreg:$0x6] =	wrdreg $0xB9000  }
0xb3: {  	[dreg:$0x7] =	wrdreg $0xD2000  }
0xb4: {  	[dreg:$0x8] =	wrdreg $0xEB000  }
0xb5: {  	[dreg:$0x9] =	wrdreg $0x9  }
0xb6: {  	_ =	task.clear_ibuf [dreg:s6], $0xAFFFF;
	_ =	strace $0x90000049  }
0xb7: {  	s29 =	simm.s32 $0x9;
	_ =	strace $0x8000004B  }
0xb8: {  	_ =	swait.ge [sflag:s29], $0x1  }
0xb9: {  	[sflag:s29] =	ssyncadd.s32 $0xFFFFFFFF  }
0xba: {  	_ =	strace $0x9000004B  }
0xbb: {  	_ =	sfence  }
0xbc: {  	s30 =	sld [smem:$0x0];
	_ =	sdelay $0x2  }
0xbd: {  	s31 =	sshll.u32 s1, $0xD;
	s1 =	sshrl.u32 s1, $0x2  }
0xbe: {  	s3 =	sand.u32 $0x4000, s31;
	s1 =	sadd.s32 s1, s30  }
0xbf: {  	s0 =	sor.u32 s3, s0;
	s1 =	sshll.u32 s1, $0x11  }
0xc0: {  	s0 =	sor.u32 s1, s0  }
0xc1: {  	s0 =	sadd.s32 $0x8F2B, s0  }
0xc2: {  	[sflag:s0] =	ssyncadd.remote.s32 $0x1  }
0xc3: {  	_ =	sfence.sel $0xFFFF  }
0xc4: {  	[dreg:$0x0] =	wrdreg $0xFFFFFFFF;
	(pc) =	sbr.abs _section_cstart, $3  }
0xc5: {  	[dreg:$0x1] =	wrdreg $0xFFFFFFFF  }
0xc6: {  	_ =	task.clear_ibuf [dreg:s6], $0x2FFFF;
	_ =	strace $0x9FFFFFFF  }
0xc7: {  	(tm) =	ssettm $0x7FFFFFFF  }
tec
execute0_lowered:
.L_overlay_start_1:
0x0: {  	(tag) =	ssettag $0x1  }
0x1: {  	s0 =	rddreg [dreg:$0x0]  }
0x2: {  	s1 =	rddreg [dreg:$0x1]  }
0x3: {  	s2 =	rddreg [dreg:$0x2]  }
0x4: {  	s3 =	rddreg [dreg:$0x3]  }
0x5: {  	s4 =	rddreg [dreg:$0x4]  }
0x6: {  	s6 =	rddreg [dreg:$0x5]  }
0x7: {  	s7 =	rddreg [dreg:$0x6]  }
0x8: {  	s8 =	simm.s32 $0x0;
	s17 =	stileid.u32;
	s5 =	srdreg.scid  }
0x9: {  	s28 =	simm.s32 $0x2000;
	s29 =	simm.s32 $0x4000;
	s30 =	simm.s32 $0x6000  }
0xa: {  	s31 =	simm.s32 $0x8000;
	[smem:$0x7FF] =	sst s8;
	s14 =	smul.u32 $0x1900, s17  }
0xb: {  	s5 =	sand.u32 $0x1, s5;
	s9 =	sadd.s32 $0x18DE00, s0;
	s10 =	sadd.s32 $0xC5E00, s0  }
0xc: {  	_ =	strace $0x8000004A;
	s11 =	smul.u32 $0x4B000, s5;
	s19 =	ssub.s32 $0x2, s5  }
0xd: {  	s5 =	sshll.u32 s5, $0x4;
	s12 =	sshrl.u32 s14, $0x3;
	s13 =	sshrl.u32 s19, $0x1  }
0xe: {  	s5 =	sor.u32 s17, s5;
	s21 =	sadd.s32 s14, s4;
	s23 =	sadd.s32 s14, s6  }
0xf: {  	s15 =	sadd.s32 s12, s0;
	s11 =	sadd.s32 s14, s11;
	s16 =	ssub.s32 s19, s13  }
0x10: {  	s12 =	sadd.s32 s14, s2;
	s13 =	sadd.s32 s14, s3;
	[dreg:$0x9] =	wrdreg s21  }
0x11: {  	[dreg:$0xb] =	wrdreg s23;
	s11 =	sshrl.u32 s11, $0x3;
	s20 =	sadd.s32 $0x2800, s15  }
0x12: {  	s22 =	sadd.s32 $0x5A00, s15;
	s15 =	sadd.s32 $0x8C00, s15;
	[dreg:$0x8] =	wrdreg s20  }
0x13: {  	s26 =	smax.u32 s16, $0x1;
	s0 =	sadd.s32 s11, s0;
	[dreg:$0xa] =	wrdreg s22  }
0x14: {  	s11 =	sadd.s32 s14, s1;
	[dreg:$0xc] =	wrdreg s15;
	s14 =	sadd.s32 s14, s7  }
0x15: {  	s20 =	smul.u32 $0x6400, s5;
	[dreg:$0x11] =	wrdreg s26;
	s26 =	simm.s32 $0x3  }
0x16: {  	s5 =	simm.s32 $0x80;
	[dreg:$0xd] =	wrdreg s14;
	s24 =	sadd.s32 $0xBE00, s0  }
0x17: {  	s15 =	simm.s32 $0x0;
	s25 =	sadd.s32 $0xF000, s0;
	[dreg:$0xe] =	wrdreg s24  }
0x18: {  	s0 =	sadd.s32 $0x12200, s0;
	s14 =	simm.s32 $0x2;
	[dreg:$0xf] =	wrdreg s25  }
0x19: {  	v0 =	vimm.f32 $0.0e+00;
	[dreg:$0x10] =	wrdreg s0;
	s25 =	simm.s32 $0xA000;
	s0 =	simm.s32 $0x1  }
.LBB2_1:
0x1a: {  	s16 =	simm.s32 $0x40;
	s17 =	simm.s32 $0x0  }
.LBB2_2:
0x1b: {  	p0 =	sne.s32 s16, $0x63C0;
	[tilespmem:s17+$0xA000] =	vst v0;
	s17 =	smov.u32 s16;
	s16 =	sadd.s32 $0x40, s16  }
.Ltmp0:
0x1c: {  	(pc) =	sbr.rel @p0 .LBB2_2-.Ltmp0, $2  }
0x1d: {  	_ =	sdelay $0x2  }
0x1e: {  	s17 =	sshra.s32 s17, $0x2  }
0x1f: {  	[tilespmem:s17+$0xA000] =	vst v0  }
0x20: {  	[spmem:s11] =	stream.linear.scatter [tilespmem:s25], [sflag:$0x3], $0x1900, $0x38;
	[tilespmem:$0x14F00] =	vst v63  }
0x21: {  	_ =	swait.ge [sflag:s26], $0x1900  }
0x22: {  	[sflag:s26] =	ssyncset.done $0x0  }
0x23: {  	[sflag:s26] =	ssyncadd.s32 $0xFFFFE700  }
0x24: {  	[spmem:s12] =	stream.linear.scatter [tilespmem:s25], [sflag:$0x3], $0x1900, $0x38;
	[tilespmem:$0x14F00] =	vst v63  }
0x25: {  	_ =	swait.ge [sflag:s26], $0x1900  }
0x26: {  	[sflag:s26] =	ssyncset.done $0x0  }
0x27: {  	[sflag:s26] =	ssyncadd.s32 $0xFFFFE700  }
0x28: {  	[spmem:s13] =	stream.linear.scatter [tilespmem:s25], [sflag:$0x3], $0x1900, $0x38;
	[tilespmem:$0x14F00] =	vst v63  }
0x29: {  	_ =	swait.ge [sflag:s26], $0x1900  }
0x2a: {  	[sflag:s26] =	ssyncset.done $0x0  }
0x2b: {  	s16 =	simm.s32 $0x0;
	s18 =	rddreg [dreg:$0x8];
	[sflag:s26] =	ssyncadd.s32 $0xFFFFE700  }
0x2c: {  	[tilespmem:s25], [sflag:$0x3] =	stream.linear.gather [hbm4b:s18+s16], $0x1900, $0x38;
	[tilespmem:$0x14F00] =	vst v63  }
0x2d: {  	_ =	swait.ge [sflag:s26], $0x1900  }
0x2e: {  	[sflag:s26] =	ssyncset.done $0x0  }
0x2f: {  	s19 =	rddreg [dreg:$0x9];
	[sflag:s26] =	ssyncadd.s32 $0xFFFFE700  }
0x30: {  	[spmem:s19] =	stream.linear.scatter [tilespmem:s25], [sflag:$0x3], $0x1900, $0x38;
	[tilespmem:$0x14F00] =	vst v63  }
0x31: {  	_ =	swait.ge [sflag:s26], $0x1900  }
0x32: {  	[sflag:s26] =	ssyncset.done $0x0  }
0x33: {  	s21 =	rddreg [dreg:$0xa];
	[sflag:s26] =	ssyncadd.s32 $0xFFFFE700  }
0x34: {  	[tilespmem:s25], [sflag:$0x3] =	stream.linear.gather [hbm4b:s21+s16], $0x1900, $0x38;
	[tilespmem:$0x14F00] =	vst v63  }
0x35: {  	_ =	swait.ge [sflag:s26], $0x1900  }
0x36: {  	[sflag:s26] =	ssyncset.done $0x0  }
0x37: {  	s22 =	rddreg [dreg:$0xb];
	[sflag:s26] =	ssyncadd.s32 $0xFFFFE700  }
0x38: {  	[spmem:s22] =	stream.linear.scatter [tilespmem:s25], [sflag:$0x3], $0x1900, $0x38;
	[tilespmem:$0x14F00] =	vst v63  }
0x39: {  	_ =	swait.ge [sflag:s26], $0x1900  }
0x3a: {  	[sflag:s26] =	ssyncset.done $0x0  }
0x3b: {  	s23 =	rddreg [dreg:$0xc];
	[sflag:s26] =	ssyncadd.s32 $0xFFFFE700  }
0x3c: {  	[tilespmem:s25], [sflag:$0x3] =	stream.linear.gather [hbm4b:s23+s16], $0x1900, $0x38;
	[tilespmem:$0x14F00] =	vst v63  }
0x3d: {  	_ =	swait.ge [sflag:s26], $0x1900  }
0x3e: {  	[sflag:s26] =	ssyncset.done $0x0  }
0x3f: {  	s24 =	rddreg [dreg:$0xd];
	[sflag:s26] =	ssyncadd.s32 $0xFFFFE700  }
0x40: {  	[spmem:s24] =	stream.linear.scatter [tilespmem:s25], [sflag:$0x3], $0x1900, $0x38;
	[tilespmem:$0x14F00] =	vst v63  }
0x41: {  	_ =	swait.ge [sflag:s26], $0x1900  }
0x42: {  	[sflag:s26] =	ssyncset.done $0x0  }
0x43: {  	[sflag:s26] =	ssyncadd.s32 $0xFFFFE700  }
0x44: {  	s17 =	simm.s32 $0x0;
	[bflag:$0x0] =	sbarrier.arrive $0xFFFF  }
.LBB2_4:
0x45: {  	s18 =	sshll.u32 s17, $0xA  }
0x46: {  	s18 =	sadd.s32 s20, s18  }
0x47: {  	s19 =	sadd.s32 s9, s18  }
0x48: {  	[tilespmem:s16], [sflag:$0x3] =	stream.linear.gather [hbm4b:s19+s16], $0x2000, $0x38;
	[tilespmem:$0x14F00] =	vst v63  }
0x49: {  	_ =	swait.ge [sflag:s26], $0x2000  }
0x4a: {  	[sflag:s26] =	ssyncset.done $0x0  }
0x4b: {  	s18 =	sadd.s32 s10, s18;
	[sflag:s26] =	ssyncadd.s32 $0xFFFFE000  }
0x4c: {  	[tilespmem:s28], [sflag:$0x3] =	stream.linear.gather [hbm4b:s18+s16], $0x2000, $0x38;
	[tilespmem:$0x14F00] =	vst v63  }
0x4d: {  	_ =	swait.ge [sflag:s26], $0x2000  }
0x4e: {  	[sflag:s26] =	ssyncset.done $0x0  }
0x4f: {  	[sflag:s26] =	ssyncadd.s32 $0xFFFFE000  }
0x50: {  	[tilespmem:s29], [sflag:$0x1] =	stream.indirect.gather [spmem:s4], $0x1, s16, s28, $0xb8;
	[tilespmem:$0x14F00] =	vst v63  }
0x51: {  	_ = 	snop  }
0x52: {  	[tilespmem:s30], [sflag:$0x1] =	stream.indirect.gather [spmem:s6], $0x1, s16, s28, $0xb8;
	[tilespmem:$0x14F00] =	vst v63  }
0x53: {  	_ = 	snop  }
0x54: {  	[tilespmem:s31], [sflag:$0x1] =	stream.indirect.gather [spmem:s7], $0x1, s16, s28, $0xb8;
	[tilespmem:$0x14F00] =	vst v63  }
0x55: {  	_ =	swait.ge [sflag:s0], $0x2000  }
0x56: {  	[sflag:s0] =	ssyncset.done $0x0  }
0x57: {  	[sflag:s0] =	ssyncadd.s32 $0xFFFFE000  }
0x58: {  	_ =	swait.ge [sflag:s0], $0x2000  }
0x59: {  	[sflag:s0] =	ssyncset.done $0x0  }
0x5a: {  	[sflag:s0] =	ssyncadd.s32 $0xFFFFE000  }
0x5b: {  	_ =	swait.ge [sflag:s0], $0x2000  }
0x5c: {  	s24 =	simm.s32 $0x4000;
	s21 =	simm.s32 $0x200;
	[sflag:s0] =	ssyncset.done $0x0  }
0x5d: {  	s19 =	simm.s32 $0x0;
	s18 =	simm.s32 $0x2000;
	[sflag:s0] =	ssyncadd.s32 $0xFFFFE000  }
0x5e: {  	[spmem:s1] =	stream.indirect.scatter.add.f32 [tilespmem:s24], [sflag:$0x2], $0x1, s18, s5, $0xb8;
	[tilespmem:$0x14F00] =	vst v63  }
.LBB2_5:
0x5f: {  	s22 =	sshra.s32 s21, $0x2;
	s23 =	sadd.s32 $0x6000, s19;
	p0 =	sne.s32 s21, $0x7E00  }
0x60: {  	[spmem:s2] =	stream.indirect.scatter.add.f32 [tilespmem:s23], [sflag:$0x2], $0x1, s18, s5, $0xb8;
	[tilespmem:$0x14F00] =	vst v63  }
.Ltmp1:
0x61: {  	_ = 	snop;
	(pc) =	sbr.rel @p0 .LBB2_5-.Ltmp1, $4  }
0x62: {  	s24 =	sadd.s32 $0x8000, s19;
	s23 =	sadd.s32 $0x4000, s22;
	s19 =	smov.u32 s22  }
0x63: {  	[spmem:s3] =	stream.indirect.scatter.add.f32 [tilespmem:s24], [sflag:$0x2], $0x1, s18, s5, $0xb8;
	[tilespmem:$0x14F00] =	vst v63  }
0x64: {  	s21 =	sadd.s32 $0x200, s21;
	s18 =	sadd.s32 $0x2000, s19  }
0x65: {  	[spmem:s1] =	stream.indirect.scatter.add.f32 [tilespmem:s23], [sflag:$0x2], $0x1, s18, s5, $0xb8;
	[tilespmem:$0x14F00] =	vst v63  }
0x66: {  	s21 =	sadd.s32 $0x6000, s19  }
0x67: {  	[spmem:s2] =	stream.indirect.scatter.add.f32 [tilespmem:s21], [sflag:$0x2], $0x1, s18, s5, $0xb8;
	[tilespmem:$0x14F00] =	vst v63  }
0x68: {  	s24 =	sadd.s32 $0x8000, s19  }
0x69: {  	[spmem:s3] =	stream.indirect.scatter.add.f32 [tilespmem:s24], [sflag:$0x2], $0x1, s18, s5, $0xb8;
	[tilespmem:$0x14F00] =	vst v63  }
0x6a: {  	_ =	swait.ge [sflag:s14], $0x80  }
0x6b: {  	[sflag:s14] =	ssyncset.done $0x0  }
0x6c: {  	[sflag:s14] =	ssyncadd.s32 $0xFFFFFF80  }
0x6d: {  	_ =	swait.ge [sflag:s14], $0x80  }
0x6e: {  	[sflag:s14] =	ssyncset.done $0x0  }
0x6f: {  	[sflag:s14] =	ssyncadd.s32 $0xFFFFFF80  }
0x70: {  	_ =	swait.ge [sflag:s14], $0x80  }
0x71: {  	s18 =	simm.s32 $0x3F;
	[sflag:s14] =	ssyncset.done $0x0  }
.LBB2_7:
0x72: {  	p0 =	sne.s32 s18, $0x1;
	s18 =	sadd.s32 $0xFFFFFFFF, s18;
	[sflag:s14] =	ssyncadd.s32 $0xFFFFFF80  }
0x73: {  	_ =	swait.ge [sflag:s14], $0x80  }
0x74: {  	[sflag:s14] =	ssyncset.done $0x0  }
0x75: {  	[sflag:s14] =	ssyncadd.s32 $0xFFFFFF80  }
.Ltmp2:
0x76: {  	_ =	swait.ge [sflag:s14], $0x80;
	(pc) =	sbr.rel @p0 .LBB2_7-.Ltmp2, $4  }
0x77: {  	[sflag:s14] =	ssyncset.done $0x0  }
0x78: {  	[sflag:s14] =	ssyncadd.s32 $0xFFFFFF80  }
0x79: {  	_ =	swait.ge [sflag:s14], $0x80  }
0x7a: {  	[sflag:s14] =	ssyncset.done $0x0  }
0x7b: {  	s17 =	sadd.s32 $0x1, s17  }
0x7c: {  	p0 =	sne.s32 s17, $0x19  }
.Ltmp3:
0x7d: {  	_ = 	snop;
	(pc) =	sbr.rel @p0 .LBB2_4-.Ltmp3, $2  }
0x7e: {  	_ =	sdelay $0x2  }
0x7f: {  	[sflag:s14] =	ssyncadd.s32 $0xFFFFFF80  }
0x80: {  	[bflag:$0x0] =	sbarrier.arrive $0xFFFF  }
0x81: {  	[tilespmem:s25], [sflag:$0x3] =	stream.linear.gather [spmem:s11], $0x1900, $0x38;
	[tilespmem:$0x14F00] =	vst v63  }
0x82: {  	_ =	swait.ge [sflag:s26], $0x1900  }
0x83: {  	[sflag:s26] =	ssyncset.done $0x0  }
0x84: {  	s16 =	rddreg [dreg:$0xe];
	[sflag:s26] =	ssyncadd.s32 $0xFFFFE700  }
0x85: {  	[hbm4b:s16+s8] =	stream.linear.scatter [tilespmem:s25], [sflag:$0x3], $0x1900, $0x38;
	[tilespmem:$0x14F00] =	vst v63  }
0x86: {  	_ =	swait.ge [sflag:s26], $0x1900  }
0x87: {  	[sflag:s26] =	ssyncset.done $0x0  }
0x88: {  	[sflag:s26] =	ssyncadd.s32 $0xFFFFE700  }
0x89: {  	[tilespmem:s25], [sflag:$0x3] =	stream.linear.gather [spmem:s12], $0x1900, $0x38;
	[tilespmem:$0x14F00] =	vst v63  }
0x8a: {  	_ =	swait.ge [sflag:s26], $0x1900  }
0x8b: {  	[sflag:s26] =	ssyncset.done $0x0  }
0x8c: {  	s22 =	rddreg [dreg:$0xf];
	[sflag:s26] =	ssyncadd.s32 $0xFFFFE700  }
0x8d: {  	[hbm4b:s22+s8] =	stream.linear.scatter [tilespmem:s25], [sflag:$0x3], $0x1900, $0x38;
	[tilespmem:$0x14F00] =	vst v63  }
0x8e: {  	_ =	swait.ge [sflag:s26], $0x1900  }
0x8f: {  	[sflag:s26] =	ssyncset.done $0x0  }
0x90: {  	[sflag:s26] =	ssyncadd.s32 $0xFFFFE700  }
0x91: {  	[tilespmem:s25], [sflag:$0x3] =	stream.linear.gather [spmem:s13], $0x1900, $0x38;
	[tilespmem:$0x14F00] =	vst v63  }
0x92: {  	_ =	swait.ge [sflag:s26], $0x1900  }
0x93: {  	[sflag:s26] =	ssyncset.done $0x0  }
0x94: {  	s23 =	rddreg [dreg:$0x10];
	[sflag:s26] =	ssyncadd.s32 $0xFFFFE700  }
0x95: {  	[hbm4b:s23+s8] =	stream.linear.scatter [tilespmem:s25], [sflag:$0x3], $0x1900, $0x38;
	[tilespmem:$0x14F00] =	vst v63  }
0x96: {  	_ =	swait.ge [sflag:s26], $0x1900  }
0x97: {  	s15 =	sadd.s32 $0x1, s15;
	s24 =	rddreg [dreg:$0x11]  }
0x98: {  	p0 =	sne.s32 s15, s24  }
.Ltmp4:
0x99: {  	_ = 	snop;
	(pc) =	sbr.rel @p0 .LBB2_1-.Ltmp4, $3  }
0x9a: {  	_ =	sdelay $0x1  }
0x9b: {  	[sflag:s26] =	ssyncset.done $0x0  }
0x9c: {  	[sflag:s26] =	ssyncadd.s32 $0xFFFFE700  }
0x9d: {  	_ =	sfence.sel $0x180000  }
0x9e: {  	[bflag:$0x0] =	sbarrier.arrive $0xFFFF  }
0x9f: {  	_ =	strace $0x9000004A  }
0xa0: {  	s0 =	stileid.u32;
	[bflag:$0x2] =	sbarrier.arrive $0xFFFF  }
0xa1: {  	p0 =	sne.s32 s0, $0x0;
	s0 =	rddreg [dreg:$0x7]  }
0xa2: {  	s0 =	sadd.s32 @!p0 $0x100000, s0  }
0xa3: {  	[sflag:s0] =	ssyncadd.tile.s32 @!p0 $0x1;
	_ =	shalt  }
.Lfunc_end2:
_tile_overlayer_lowered:
.L_overlay_start_2:
0xa4: {  	(tag) =	ssettag $0x2  }
0xa5: {  	s0 =	rddreg [dreg:$0x0];
	s2 =	stileid.u32  }
0xa6: {  	s1 =	rddreg [dreg:$0x1];
	p0 =	sne.s32 s2, $0x0  }
0xa7: {  	s3 =	rddreg [dreg:$0x2];
	[bflag:$0x3] =	sbarrier.arrive $0xFFFF;
	s2 =	simm.s32 @!p0 $0x1C03  }
0xa8: {  	[timem:s3], [sflag:s2] =	dma.local @!p0 [hbm:s0], s1  }
0xa9: {  	s0 =	simm.s32 @!p0 $0x3  }
0xaa: {  	_ =	swait.ge @!p0 [sflag:s0], s1  }
0xab: {  	s1 =	ssub.s32 @!p0 $0x0, s1;
	[sflag:s0] =	ssyncset.done @!p0 $0x0  }
0xac: {  	[sflag:s0] =	ssyncadd.s32 @!p0 s1  }
0xad: {  	[bflag:$0x3] =	sbarrier.arrive $0xFFFF  }
0xae: {  	_ =	shalt  }

// kernel: kernel.14.cloned.1.call-start
scs
__scs_entry_jumppad:
0x0: {  	(pc) =	sbr.rel $0x88, $3  }
0x1: {  	(tag) =	ssettag $0x0;
	lr =	simm.s32 $0x1  }
0x2: {  	[smem:$0x3F9B] =	sst lr;
	_ =	strace $0xD0000000  }
0x3: {  	_ = 	snop  }
0x4: {  	_ = 	snop  }
0x5: {  	_ = 	snop  }
0x6: {  	_ = 	snop  }
0x7: {  	_ = 	snop  }
__scs_overlays_trampoline_lowered:
0x8: {  	[smem:$0x3FAA] =	sst s0  }
0x9: {  	[smem:$0x3FAB] =	sst s1  }
0xa: {  	[smem:$0x3FAC] =	sst s2  }
0xb: {  	[smem:$0x3FAD] =	sst s3  }
0xc: {  	[smem:$0x3FAE] =	sst s4  }
0xd: {  	[smem:$0x3FAF] =	sst s5  }
0xe: {  	[smem:$0x3FB0] =	sst s6  }
0xf: {  	[smem:$0x3FB1] =	sst s7  }
0x10: {  	[smem:$0x3FB2] =	sst s8  }
0x11: {  	[smem:$0x3FB3] =	sst s9;
	s0 =	simm.s32 @!p0 $0x0  }
0x12: {  	s1 =	sld [smem:$0x3F99];
	s0 =	simm.s32 @p0 $0x1  }
0x13: {  	[smem:$0x3FB4] =	sst s0;
	s0 =	simm.s32 @!p1 $0x0  }
0x14: {  	s2 =	sld [smem:$0x3F98];
	s0 =	simm.s32 @p1 $0x1  }
0x15: {  	[smem:$0x3FB5] =	sst s0;
	s0 =	simm.s32 @!p2 $0x0  }
0x16: {  	s3 =	sld [smem:$0x3FDB];
	s0 =	simm.s32 @p2 $0x1  }
0x17: {  	s4 =	simm.s32 $0x1BF5;
	[smem:$0x3FB7] =	sst s0  }
0x18: {  	s0 =	sld [smem:$0x3F9A];
	_ =	swait.ge [sflag:s4], $0x0  }
0x19: {  	s7 =	sld [smem:$0x3F9B]  }
0x1a: {  	s8 =	sadd.s32 $0xFFFFE003, lr  }
0x1b: {  	s9 =	sadd.s32 $0xFFFFFEF7, lr;
	s5 =	simm.s32 $0xFFFFFFFF;
	p2 =	slt.u32 s8, $0xFFFFF086  }
0x1c: {  	p1 =	slt.u32 s9, $0xF7A;
	s5 =	simm.s32 @!p2 $0x0  }
0x1d: {  	s5 =	simm.s32 @p1 $0x1;
	p0 =	seq.s32 s7, s2  }
0x1e: {  	s7 =	smul.u32 @!p0 $0xF7A, s2;
	p2 =	seq.s32 @!p0 s5, $0x0  }
0x1f: {  	s9 =	smul.u32 $0xF7A, s1;
	s8 =	simm.s32 @!p0 $0x1BF5;
	p2 =	por !p2, p0  }
0x20: {  	[sflag:s8] =	ssyncset.s32 @!p0 $0xFFFFF086;
	s6 =	sadd.s32 @!p0 s3, s7;
	s7 =	simm.s32 @!p0 $0x108  }
0x21: {  	s3 =	sadd.s32 s3, s9;
	s6 =	sadd.s32 @!p0 $0x88, s6;
	s7 =	simm.s32 @p2 $0x1082  }
0x22: {  	[simem:s7], [sflag:s8] =	dma.local @!p0 [hbm:s6], $0xF7A  }
0x23: {  	s9 =	sor.u32 $0xD0000000, s2;
	s6 =	simm.s32 $0x108;
	_ =	swait.ge @!p0 [sflag:s8], $0x0  }
0x24: {  	s3 =	sadd.s32 $0x88, s3;
	s6 =	simm.s32 @!p1 $0x1082;
	[sflag:s4] =	ssyncset.s32 $0xFFFFF086  }
0x25: {  	[simem:s6], [sflag:s4] =	dma.local [hbm:s3], $0xF7A  }
0x26: {  	[smem:$0x3F9B] =	sst s1;
	(tag) =	ssettag s2;
	_ =	strace s9  }
0x27: {  	s1 =	sld [smem:$0x3FAB]  }
0x28: {  	s2 =	sld [smem:$0x3FAC]  }
0x29: {  	s4 =	sld [smem:$0x3FAE]  }
0x2a: {  	p0 =	seq.s32 s5, $0x0;
	s5 =	sld [smem:$0x3FAF]  }
0x2b: {  	s6 =	sld [smem:$0x3FB0]  }
0x2c: {  	s7 =	sld [smem:$0x3FB1]  }
0x2d: {  	s3 =	simm.s32 $0x108;
	s8 =	sld [smem:$0x3FB2]  }
0x2e: {  	s3 =	simm.s32 @!p0 $0x1082;
	s9 =	sld [smem:$0x3FB3]  }
0x2f: {  	lr =	sadd.s32 s0, s3;
	s0 =	sld [smem:$0x3FAA]  }
0x30: {  	s3 =	sld [smem:$0x3FAD]  }
0x31: {  	[smem:$0x3FB6] =	sst s10  }
0x32: {  	s10 =	sld [smem:$0x3FB4];
	_ =	sdelay $0x3  }
0x33: {  	p0 =	seq.s32 s10, $0x1;
	s10 =	sld [smem:$0x3FB6];
	_ =	sdelay $0x3  }
0x34: {  	[smem:$0x3FB6] =	sst s10  }
0x35: {  	s10 =	sld [smem:$0x3FB5];
	_ =	sdelay $0x3  }
0x36: {  	p1 =	seq.s32 s10, $0x1;
	s10 =	sld [smem:$0x3FB6];
	_ =	sdelay $0x3  }
0x37: {  	[smem:$0x3FB6] =	sst s10  }
0x38: {  	s10 =	sld [smem:$0x3FB7]  }
0x39: {  	_ = 	snop;
	(pc) =	sbr.ind lr, $3  }
0x3a: {  	_ = 	snop  }
0x3b: {  	_ = 	snop  }
0x3c: {  	p2 =	seq.s32 s10, $0x1;
	s10 =	sld [smem:$0x3FB6]  }
0x3d: {  	_ =	shalt  }
0x3e: {  	_ =	shalt  }
0x3f: {  	_ =	shalt  }
0x40: {  	_ =	shalt  }
0x41: {  	_ =	shalt  }
0x42: {  	_ =	shalt  }
0x43: {  	_ =	shalt  }
0x44: {  	_ =	shalt  }
0x45: {  	_ =	shalt  }
0x46: {  	_ =	shalt  }
0x47: {  	_ =	shalt  }
0x48: {  	_ =	shalt  }
0x49: {  	_ =	shalt  }
0x4a: {  	_ =	shalt  }
0x4b: {  	_ =	shalt  }
0x4c: {  	_ =	shalt  }
0x4d: {  	_ =	shalt  }
0x4e: {  	_ =	shalt  }
0x4f: {  	_ =	shalt  }
0x50: {  	_ =	shalt  }
0x51: {  	_ =	shalt  }
0x52: {  	_ =	shalt  }
0x53: {  	_ =	shalt  }
0x54: {  	_ =	shalt  }
0x55: {  	_ =	shalt  }
0x56: {  	_ =	shalt  }
0x57: {  	_ =	shalt  }
0x58: {  	_ =	shalt  }
0x59: {  	_ =	shalt  }
0x5a: {  	_ =	shalt  }
0x5b: {  	_ =	shalt  }
0x5c: {  	_ =	shalt  }
0x5d: {  	_ =	shalt  }
0x5e: {  	_ =	shalt  }
0x5f: {  	_ =	shalt  }
0x60: {  	_ =	shalt  }
0x61: {  	_ =	shalt  }
0x62: {  	_ =	shalt  }
0x63: {  	_ =	shalt  }
0x64: {  	_ =	shalt  }
0x65: {  	_ =	shalt  }
0x66: {  	_ =	shalt  }
0x67: {  	_ =	shalt  }
0x68: {  	_ =	shalt  }
0x69: {  	_ =	shalt  }
0x6a: {  	_ =	shalt  }
0x6b: {  	_ =	shalt  }
0x6c: {  	_ =	shalt  }
0x6d: {  	_ =	shalt  }
0x6e: {  	_ =	shalt  }
0x6f: {  	_ =	shalt  }
0x70: {  	_ =	shalt  }
0x71: {  	_ =	shalt  }
0x72: {  	_ =	shalt  }
0x73: {  	_ =	shalt  }
0x74: {  	_ =	shalt  }
0x75: {  	_ =	shalt  }
0x76: {  	_ =	shalt  }
0x77: {  	_ =	shalt  }
0x78: {  	_ =	shalt  }
0x79: {  	_ =	shalt  }
0x7a: {  	_ =	shalt  }
0x7b: {  	_ =	shalt  }
0x7c: {  	_ =	shalt  }
0x7d: {  	_ =	shalt  }
0x7e: {  	_ =	shalt  }
0x7f: {  	_ =	shalt  }
0x80: {  	_ =	shalt  }
0x81: {  	_ =	shalt  }
0x82: {  	_ =	shalt  }
0x83: {  	_ =	shalt  }
0x84: {  	_ =	shalt  }
0x85: {  	_ =	shalt  }
0x86: {  	_ =	shalt  }
0x87: {  	_ =	shalt  }
.Lfunc_end0:
.L_simem_size_0:
called_computation.2_lowered:
.L_overlay_start_0:
0x88: {  	s2 =	sld [smem:$0x3FD9]  }
0x89: {  	s3 =	sld [smem:$0x3FFE];
	_ =	sdelay $0x1  }
0x8a: {  	s1 =	srdreg.scid  }
0x8b: {  	s0 =	sand.u32 $0x1, s1  }
0x8c: {  	s16 =	sshll.u32 s0, $0xA;
	s2 =	sadd.s32 s3, s2  }
0x8d: {  	s2 =	sadd.s32 s2, s16  }
0x8e: {  	[smem:$0x3FC2] =	sst s2  }
0x8f: {  	_ = 	snop  }
0x90: {  	(tm) =	ssettm $0x1  }
0x91: {  	s17 =	sld [smem:$0x3FFB];
	_ =	sdelay $0x3  }
0x92: {  	_ =	strace s17  }
0x93: {  	s2 =	sld [smem:$0x3FFC];
	_ =	sdelay $0x3  }
0x94: {  	_ =	strace s2  }
0x95: {  	s2 =	sld [smem:$0x3FFD];
	_ =	sdelay $0x3  }
0x96: {  	_ =	strace s2  }
0x97: {  	_ =	strace $0x8FFFFFFF  }
0x98: {  	s18 =	sld [smem:$0x3FDB];
	_ =	sdelay $0x1  }
0x99: {  	s19 =	simm.s32 $_scs_section_size  }
0x9a: {  	s4 =	simm.s32 $_size__tile_overlayer_lowered;
	s5 =	simm.s32 $_tile_overlayer_lowered  }
0x9b: {  	s22 =	simm.s32 $0x1BFF;
	s21 =	sshll.u32 s5, $0x1;
	s2 =	sadd.s32 s19, s18  }
0x9c: {  	s6 =	simm.s32 $0x0;
	s20 =	sshll.u32 s4, $0x1;
	s4 =	sadd.s32 s21, s2  }
0x9d: {  	[timem:s6], [sflag:s22] =	dma.local [hbm:s4], s20  }
0x9e: {  	_ =	swait.ge [sflag:s22], s20  }
0x9f: {  	s3 =	ssub.s32 $0x0, s20;
	[sflag:s22] =	ssyncset.done $0x0  }
0xa0: {  	[sflag:s22] =	ssyncadd.s32 s3;
	_ =	sdelay $0x1  }
0xa1: {  	s23 =	simm.s32 $0x1B8B  }
0xa2: {  	_ =	swait.ge [sflag:s23], $0x1  }
0xa3: {  	[sflag:s23] =	ssyncset.done $0x0  }
0xa4: {  	s25 =	simm.s32 $0x1B8E;
	s24 =	sld [smem:$0x3FFE];
	[sflag:s23] =	ssyncadd.s32 $0xFFFFFFFF  }
0xa5: {  	s26 =	simm.s32 $execute0_lowered;
	[smem:$0x3FD2] =	sst s25  }
0xa6: {  	s4 =	sshll.u32 s26, $0x1;
	_ =	strace $0x8000004C;
	[dreg:$0x1] =	wrdreg $0xFFFFFFFF  }
0xa7: {  	s28 =	simm.s32 $_size_execute0_lowered;
	s2 =	sadd.s32 s2, s4;
	[dreg:$0x0] =	wrdreg $0x0  }
0xa8: {  	s4 =	sshll.u32 s28, $0x1;
	[dreg:$0x2] =	wrdreg s2  }
0xa9: {  	[dreg:$0x3] =	wrdreg s4  }
0xaa: {  	[dreg:$0x4] =	wrdreg $0xC0  }
0xab: {  	_ =	task [dreg:s6], $0x5FFFF  }
0xac: {  	[dreg:$0x1] =	wrdreg $0xFFFFFFFF  }
0xad: {  	[dreg:$0x0] =	wrdreg $0x60  }
0xae: {  	[dreg:$0x2] =	wrdreg s24  }
0xaf: {  	[dreg:$0x3] =	wrdreg $0x92000  }
0xb0: {  	[dreg:$0x4] =	wrdreg $0x79000  }
0xb1: {  	[dreg:$0x5] =	wrdreg $0x9  }
0xb2: {  	_ =	task.clear_ibuf [dreg:s6], $0x6FFFF;
	_ =	strace $0x9000004C  }
0xb3: {  	s29 =	simm.s32 $0x9;
	_ =	strace $0x8000004E  }
0xb4: {  	_ =	swait.ge [sflag:s29], $0x1  }
0xb5: {  	[sflag:s29] =	ssyncadd.s32 $0xFFFFFFFF  }
0xb6: {  	_ =	strace $0x9000004E  }
0xb7: {  	_ =	sfence  }
0xb8: {  	s30 =	sld [smem:$0x0];
	_ =	sdelay $0x2  }
0xb9: {  	s31 =	sshll.u32 s1, $0xD;
	s1 =	sshrl.u32 s1, $0x2  }
0xba: {  	s3 =	sand.u32 $0x4000, s31;
	s1 =	sadd.s32 s1, s30  }
0xbb: {  	s0 =	sor.u32 s3, s0;
	s1 =	sshll.u32 s1, $0x11  }
0xbc: {  	s0 =	sor.u32 s1, s0  }
0xbd: {  	s0 =	sadd.s32 $0x8F2B, s0  }
0xbe: {  	[sflag:s0] =	ssyncadd.remote.s32 $0x1  }
0xbf: {  	_ =	sfence.sel $0xFFFF  }
0xc0: {  	[dreg:$0x0] =	wrdreg $0xFFFFFFFF;
	(pc) =	sbr.abs _section_cstart, $3  }
0xc1: {  	[dreg:$0x1] =	wrdreg $0xFFFFFFFF  }
0xc2: {  	_ =	task.clear_ibuf [dreg:s6], $0x2FFFF;
	_ =	strace $0x9FFFFFFF  }
0xc3: {  	(tm) =	ssettm $0x7FFFFFFF  }
tec
execute0_lowered:
.L_overlay_start_1:
0x0: {  	(tag) =	ssettag $0x1  }
0x1: {  	s7 =	rddreg [dreg:$0x0]  }
0x2: {  	s2 =	rddreg [dreg:$0x1]  }
0x3: {  	s3 =	rddreg [dreg:$0x2]  }
0x4: {  	s0 =	rddreg [dreg:$0x3];
	s4 =	simm.s32 $0x0  }
0x5: {  	s1 =	stileid.u32;
	s5 =	srdreg.scid;
	s15 =	simm.s32 $0x2000  }
0x6: {  	s16 =	simm.s32 $0x4000;
	s17 =	simm.s32 $0x1;
	s18 =	simm.s32 $0x80  }
0x7: {  	s19 =	simm.s32 $0x2;
	s20 =	simm.s32 $0x0;
	[smem:$0x7FF] =	sst s4  }
0x8: {  	s9 =	smul.u32 $0x1900, s1;
	s8 =	sand.u32 $0x1, s5;
	s5 =	sadd.s32 $0x18DE00, s7  }
0x9: {  	s6 =	sadd.s32 $0xC5E00, s7;
	_ =	strace $0x8000004D;
	s10 =	smul.u32 $0x19000, s8  }
0xa: {  	s12 =	ssub.s32 $0x2, s8;
	s30 =	sshll.u32 s8, $0x4;
	s11 =	sshrl.u32 s9, $0x3  }
0xb: {  	s13 =	sshrl.u32 s12, $0x1;
	s31 =	sor.u32 s1, s30;
	s10 =	sadd.s32 s9, s10  }
0xc: {  	s11 =	sadd.s32 s11, s7;
	s12 =	ssub.s32 s12, s13;
	s13 =	simm.s32 $0x6000  }
0xd: {  	s10 =	sshrl.u32 s10, $0x3;
	s8 =	sadd.s32 $0x2800, s11;
	s12 =	smax.u32 s12, $0x1  }
0xe: {  	s14 =	sadd.s32 s10, s7;
	s7 =	sadd.s32 s9, s2;
	s9 =	sadd.s32 s9, s3  }
0xf: {  	v0 =	vimm.f32 $0.0e+00;
	s10 =	smul.u32 $0x6400, s31;
	s11 =	sadd.s32 $0x5A00, s14;
	s14 =	simm.s32 $0x3  }
.LBB2_1:
0x10: {  	s21 =	simm.s32 $0x40;
	s22 =	simm.s32 $0x0  }
.LBB2_2:
0x11: {  	p0 =	sne.s32 s21, $0x63C0;
	[tilespmem:s22+$0x6000] =	vst v0;
	s22 =	smov.u32 s21;
	s21 =	sadd.s32 $0x40, s21  }
.Ltmp0:
0x12: {  	(pc) =	sbr.rel @p0 .LBB2_2-.Ltmp0, $2  }
0x13: {  	_ =	sdelay $0x2  }
0x14: {  	s22 =	sshra.s32 s22, $0x2  }
0x15: {  	[tilespmem:s22+$0x6000] =	vst v0  }
0x16: {  	[spmem:s7] =	stream.linear.scatter [tilespmem:s13], [sflag:$0x3], $0x1900, $0x38;
	[tilespmem:$0xAB00] =	vst v63  }
0x17: {  	_ =	swait.ge [sflag:s14], $0x1900  }
0x18: {  	[sflag:s14] =	ssyncset.done $0x0  }
0x19: {  	s21 =	simm.s32 $0x0;
	[sflag:s14] =	ssyncadd.s32 $0xFFFFE700  }
0x1a: {  	[tilespmem:s13], [sflag:$0x3] =	stream.linear.gather [hbm4b:s8+s21], $0x1900, $0x38;
	[tilespmem:$0xAB00] =	vst v63  }
0x1b: {  	_ =	swait.ge [sflag:s14], $0x1900  }
0x1c: {  	[sflag:s14] =	ssyncset.done $0x0  }
0x1d: {  	[sflag:s14] =	ssyncadd.s32 $0xFFFFE700  }
0x1e: {  	[spmem:s9] =	stream.linear.scatter [tilespmem:s13], [sflag:$0x3], $0x1900, $0x38;
	[tilespmem:$0xAB00] =	vst v63  }
0x1f: {  	_ =	swait.ge [sflag:s14], $0x1900  }
0x20: {  	[sflag:s14] =	ssyncset.done $0x0  }
0x21: {  	[sflag:s14] =	ssyncadd.s32 $0xFFFFE700  }
0x22: {  	s22 =	simm.s32 $0x0;
	[bflag:$0x0] =	sbarrier.arrive $0xFFFF  }
.LBB2_4:
0x23: {  	s23 =	sshll.u32 s22, $0xA  }
0x24: {  	s23 =	sadd.s32 s10, s23  }
0x25: {  	s24 =	sadd.s32 s5, s23  }
0x26: {  	[tilespmem:s21], [sflag:$0x3] =	stream.linear.gather [hbm4b:s24+s21], $0x2000, $0x38;
	[tilespmem:$0xAB00] =	vst v63  }
0x27: {  	_ =	swait.ge [sflag:s14], $0x2000  }
0x28: {  	[sflag:s14] =	ssyncset.done $0x0  }
0x29: {  	s23 =	sadd.s32 s6, s23;
	[sflag:s14] =	ssyncadd.s32 $0xFFFFE000  }
0x2a: {  	[tilespmem:s15], [sflag:$0x3] =	stream.linear.gather [hbm4b:s23+s21], $0x2000, $0x38;
	[tilespmem:$0xAB00] =	vst v63  }
0x2b: {  	_ =	swait.ge [sflag:s14], $0x2000  }
0x2c: {  	[sflag:s14] =	ssyncset.done $0x0  }
0x2d: {  	[sflag:s14] =	ssyncadd.s32 $0xFFFFE000  }
0x2e: {  	[tilespmem:s16], [sflag:$0x1] =	stream.indirect.gather [spmem:s3], $0x1, s21, s15, $0xb8;
	[tilespmem:$0xAB00] =	vst v63  }
0x2f: {  	_ =	swait.ge [sflag:s17], $0x2000  }
0x30: {  	[sflag:s17] =	ssyncset.done $0x0  }
0x31: {  	s23 =	simm.s32 $0x0;
	[sflag:s17] =	ssyncadd.s32 $0xFFFFE000  }
.LBB2_5:
0x32: {  	p0 =	sne.s32 s23, $0x7E00  }
.Ltmp1:
0x33: {  	_ = 	snop;
	(pc) =	sbr.rel @p0 .LBB2_5-.Ltmp1, $4  }
0x34: {  	_ = 	snop  }
0x35: {  	s24 =	sshra.s32 s23, $0x2  }
0x36: {  	s23 =	sadd.s32 $0x200, s23;
	s25 =	sadd.s32 $0x4000, s24;
	s24 =	sadd.s32 $0x2000, s24  }
0x37: {  	[spmem:s2] =	stream.indirect.scatter.add.f32 [tilespmem:s25], [sflag:$0x2], $0x1, s24, s18, $0xb8;
	[tilespmem:$0xAB00] =	vst v63  }
0x38: {  	_ =	swait.ge [sflag:s19], $0x80  }
0x39: {  	s23 =	simm.s32 $0x3F;
	[sflag:s19] =	ssyncset.done $0x0  }
.LBB2_7:
0x3a: {  	p0 =	sne.s32 s23, $0x1;
	s23 =	sadd.s32 $0xFFFFFFFF, s23;
	[sflag:s19] =	ssyncadd.s32 $0xFFFFFF80  }
.Ltmp2:
0x3b: {  	(pc) =	sbr.rel @p0 .LBB2_7-.Ltmp2, $3  }
0x3c: {  	_ =	sdelay $0x1  }
0x3d: {  	_ =	swait.ge [sflag:s19], $0x80  }
0x3e: {  	[sflag:s19] =	ssyncset.done $0x0  }
0x3f: {  	s22 =	sadd.s32 $0x1, s22  }
0x40: {  	p0 =	sne.s32 s22, $0x19  }
.Ltmp3:
0x41: {  	_ = 	snop;
	(pc) =	sbr.rel @p0 .LBB2_4-.Ltmp3, $2  }
0x42: {  	_ =	sdelay $0x2  }
0x43: {  	[sflag:s19] =	ssyncadd.s32 $0xFFFFFF80  }
0x44: {  	[bflag:$0x0] =	sbarrier.arrive $0xFFFF  }
0x45: {  	[tilespmem:s13], [sflag:$0x3] =	stream.linear.gather [spmem:s7], $0x1900, $0x38;
	[tilespmem:$0xAB00] =	vst v63  }
0x46: {  	s20 =	sadd.s32 $0x1, s20;
	_ =	swait.ge [sflag:s14], $0x1900  }
0x47: {  	p0 =	sne.s32 s20, s12;
	[sflag:s14] =	ssyncset.done $0x0  }
.Ltmp4:
0x48: {  	[sflag:s14] =	ssyncadd.s32 $0xFFFFE700;
	(pc) =	sbr.rel @p0 .LBB2_1-.Ltmp4, $4  }
0x49: {  	[hbm4b:s11+s4] =	stream.linear.scatter [tilespmem:s13], [sflag:$0x3], $0x1900, $0x38;
	[tilespmem:$0xAB00] =	vst v63  }
0x4a: {  	_ =	swait.ge [sflag:s14], $0x1900  }
0x4b: {  	[sflag:s14] =	ssyncset.done $0x0  }
0x4c: {  	[sflag:s14] =	ssyncadd.s32 $0xFFFFE700  }
0x4d: {  	_ =	sfence.sel $0x180000  }
0x4e: {  	[bflag:$0x0] =	sbarrier.arrive $0xFFFF  }
0x4f: {  	p0 =	sne.s32 s1, $0x0;
	_ =	strace $0x9000004D  }
0x50: {  	s0 =	sadd.s32 @!p0 $0x100000, s0;
	[bflag:$0x2] =	sbarrier.arrive $0xFFFF  }
0x51: {  	[sflag:s0] =	ssyncadd.tile.s32 @!p0 $0x1;
	_ =	shalt  }
.Lfunc_end2:
_tile_overlayer_lowered:
.L_overlay_start_2:
0x52: {  	(tag) =	ssettag $0x2  }
0x53: {  	s0 =	rddreg [dreg:$0x0];
	s2 =	stileid.u32  }
0x54: {  	s1 =	rddreg [dreg:$0x1];
	p0 =	sne.s32 s2, $0x0  }
0x55: {  	s3 =	rddreg [dreg:$0x2];
	[bflag:$0x3] =	sbarrier.arrive $0xFFFF;
	s2 =	simm.s32 @!p0 $0x1C03  }
0x56: {  	[timem:s3], [sflag:s2] =	dma.local @!p0 [hbm:s0], s1  }
0x57: {  	s0 =	simm.s32 @!p0 $0x3  }
0x58: {  	_ =	swait.ge @!p0 [sflag:s0], s1  }
0x59: {  	s1 =	ssub.s32 @!p0 $0x0, s1;
	[sflag:s0] =	ssyncset.done @!p0 $0x0  }
0x5a: {  	[sflag:s0] =	ssyncadd.s32 @!p0 s1  }
0x5b: {  	[bflag:$0x3] =	sbarrier.arrive $0xFFFF  }
0x5c: {  	_ =	shalt  }

// kernel: kernel.8.cloned.1.call-start
scs
__scs_entry_jumppad:
0x0: {  	(pc) =	sbr.rel $0x88, $3  }
0x1: {  	(tag) =	ssettag $0x0;
	lr =	simm.s32 $0x1  }
0x2: {  	[smem:$0x3F9B] =	sst lr;
	_ =	strace $0xD0000000  }
0x3: {  	_ = 	snop  }
0x4: {  	_ = 	snop  }
0x5: {  	_ = 	snop  }
0x6: {  	_ = 	snop  }
0x7: {  	_ = 	snop  }
__scs_overlays_trampoline_lowered:
0x8: {  	[smem:$0x3FAA] =	sst s0  }
0x9: {  	[smem:$0x3FAB] =	sst s1  }
0xa: {  	[smem:$0x3FAC] =	sst s2  }
0xb: {  	[smem:$0x3FAD] =	sst s3  }
0xc: {  	[smem:$0x3FAE] =	sst s4  }
0xd: {  	[smem:$0x3FAF] =	sst s5  }
0xe: {  	[smem:$0x3FB0] =	sst s6  }
0xf: {  	[smem:$0x3FB1] =	sst s7  }
0x10: {  	[smem:$0x3FB2] =	sst s8  }
0x11: {  	[smem:$0x3FB3] =	sst s9;
	s0 =	simm.s32 @!p0 $0x0  }
0x12: {  	s1 =	sld [smem:$0x3F99];
	s0 =	simm.s32 @p0 $0x1  }
0x13: {  	[smem:$0x3FB4] =	sst s0;
	s0 =	simm.s32 @!p1 $0x0  }
0x14: {  	s2 =	sld [smem:$0x3F98];
	s0 =	simm.s32 @p1 $0x1  }
0x15: {  	[smem:$0x3FB5] =	sst s0;
	s0 =	simm.s32 @!p2 $0x0  }
0x16: {  	s3 =	sld [smem:$0x3FDB];
	s0 =	simm.s32 @p2 $0x1  }
0x17: {  	s4 =	simm.s32 $0x1BF5;
	[smem:$0x3FB7] =	sst s0  }
0x18: {  	s0 =	sld [smem:$0x3F9A];
	_ =	swait.ge [sflag:s4], $0x0  }
0x19: {  	s7 =	sld [smem:$0x3F9B]  }
0x1a: {  	s8 =	sadd.s32 $0xFFFFE003, lr  }
0x1b: {  	s9 =	sadd.s32 $0xFFFFFEF7, lr;
	s5 =	simm.s32 $0xFFFFFFFF;
	p2 =	slt.u32 s8, $0xFFFFF086  }
0x1c: {  	p1 =	slt.u32 s9, $0xF7A;
	s5 =	simm.s32 @!p2 $0x0  }
0x1d: {  	s5 =	simm.s32 @p1 $0x1;
	p0 =	seq.s32 s7, s2  }
0x1e: {  	s7 =	smul.u32 @!p0 $0xF7A, s2;
	p2 =	seq.s32 @!p0 s5, $0x0  }
0x1f: {  	s9 =	smul.u32 $0xF7A, s1;
	s8 =	simm.s32 @!p0 $0x1BF5;
	p2 =	por !p2, p0  }
0x20: {  	[sflag:s8] =	ssyncset.s32 @!p0 $0xFFFFF086;
	s6 =	sadd.s32 @!p0 s3, s7;
	s7 =	simm.s32 @!p0 $0x108  }
0x21: {  	s3 =	sadd.s32 s3, s9;
	s6 =	sadd.s32 @!p0 $0x88, s6;
	s7 =	simm.s32 @p2 $0x1082  }
0x22: {  	[simem:s7], [sflag:s8] =	dma.local @!p0 [hbm:s6], $0xF7A  }
0x23: {  	s9 =	sor.u32 $0xD0000000, s2;
	s6 =	simm.s32 $0x108;
	_ =	swait.ge @!p0 [sflag:s8], $0x0  }
0x24: {  	s3 =	sadd.s32 $0x88, s3;
	s6 =	simm.s32 @!p1 $0x1082;
	[sflag:s4] =	ssyncset.s32 $0xFFFFF086  }
0x25: {  	[simem:s6], [sflag:s4] =	dma.local [hbm:s3], $0xF7A  }
0x26: {  	[smem:$0x3F9B] =	sst s1;
	(tag) =	ssettag s2;
	_ =	strace s9  }
0x27: {  	s1 =	sld [smem:$0x3FAB]  }
0x28: {  	s2 =	sld [smem:$0x3FAC]  }
0x29: {  	s4 =	sld [smem:$0x3FAE]  }
0x2a: {  	p0 =	seq.s32 s5, $0x0;
	s5 =	sld [smem:$0x3FAF]  }
0x2b: {  	s6 =	sld [smem:$0x3FB0]  }
0x2c: {  	s7 =	sld [smem:$0x3FB1]  }
0x2d: {  	s3 =	simm.s32 $0x108;
	s8 =	sld [smem:$0x3FB2]  }
0x2e: {  	s3 =	simm.s32 @!p0 $0x1082;
	s9 =	sld [smem:$0x3FB3]  }
0x2f: {  	lr =	sadd.s32 s0, s3;
	s0 =	sld [smem:$0x3FAA]  }
0x30: {  	s3 =	sld [smem:$0x3FAD]  }
0x31: {  	[smem:$0x3FB6] =	sst s10  }
0x32: {  	s10 =	sld [smem:$0x3FB4];
	_ =	sdelay $0x3  }
0x33: {  	p0 =	seq.s32 s10, $0x1;
	s10 =	sld [smem:$0x3FB6];
	_ =	sdelay $0x3  }
0x34: {  	[smem:$0x3FB6] =	sst s10  }
0x35: {  	s10 =	sld [smem:$0x3FB5];
	_ =	sdelay $0x3  }
0x36: {  	p1 =	seq.s32 s10, $0x1;
	s10 =	sld [smem:$0x3FB6];
	_ =	sdelay $0x3  }
0x37: {  	[smem:$0x3FB6] =	sst s10  }
0x38: {  	s10 =	sld [smem:$0x3FB7]  }
0x39: {  	_ = 	snop;
	(pc) =	sbr.ind lr, $3  }
0x3a: {  	_ = 	snop  }
0x3b: {  	_ = 	snop  }
0x3c: {  	p2 =	seq.s32 s10, $0x1;
	s10 =	sld [smem:$0x3FB6]  }
0x3d: {  	_ =	shalt  }
0x3e: {  	_ =	shalt  }
0x3f: {  	_ =	shalt  }
0x40: {  	_ =	shalt  }
0x41: {  	_ =	shalt  }
0x42: {  	_ =	shalt  }
0x43: {  	_ =	shalt  }
0x44: {  	_ =	shalt  }
0x45: {  	_ =	shalt  }
0x46: {  	_ =	shalt  }
0x47: {  	_ =	shalt  }
0x48: {  	_ =	shalt  }
0x49: {  	_ =	shalt  }
0x4a: {  	_ =	shalt  }
0x4b: {  	_ =	shalt  }
0x4c: {  	_ =	shalt  }
0x4d: {  	_ =	shalt  }
0x4e: {  	_ =	shalt  }
0x4f: {  	_ =	shalt  }
0x50: {  	_ =	shalt  }
0x51: {  	_ =	shalt  }
0x52: {  	_ =	shalt  }
0x53: {  	_ =	shalt  }
0x54: {  	_ =	shalt  }
0x55: {  	_ =	shalt  }
0x56: {  	_ =	shalt  }
0x57: {  	_ =	shalt  }
0x58: {  	_ =	shalt  }
0x59: {  	_ =	shalt  }
0x5a: {  	_ =	shalt  }
0x5b: {  	_ =	shalt  }
0x5c: {  	_ =	shalt  }
0x5d: {  	_ =	shalt  }
0x5e: {  	_ =	shalt  }
0x5f: {  	_ =	shalt  }
0x60: {  	_ =	shalt  }
0x61: {  	_ =	shalt  }
0x62: {  	_ =	shalt  }
0x63: {  	_ =	shalt  }
0x64: {  	_ =	shalt  }
0x65: {  	_ =	shalt  }
0x66: {  	_ =	shalt  }
0x67: {  	_ =	shalt  }
0x68: {  	_ =	shalt  }
0x69: {  	_ =	shalt  }
0x6a: {  	_ =	shalt  }
0x6b: {  	_ =	shalt  }
0x6c: {  	_ =	shalt  }
0x6d: {  	_ =	shalt  }
0x6e: {  	_ =	shalt  }
0x6f: {  	_ =	shalt  }
0x70: {  	_ =	shalt  }
0x71: {  	_ =	shalt  }
0x72: {  	_ =	shalt  }
0x73: {  	_ =	shalt  }
0x74: {  	_ =	shalt  }
0x75: {  	_ =	shalt  }
0x76: {  	_ =	shalt  }
0x77: {  	_ =	shalt  }
0x78: {  	_ =	shalt  }
0x79: {  	_ =	shalt  }
0x7a: {  	_ =	shalt  }
0x7b: {  	_ =	shalt  }
0x7c: {  	_ =	shalt  }
0x7d: {  	_ =	shalt  }
0x7e: {  	_ =	shalt  }
0x7f: {  	_ =	shalt  }
0x80: {  	_ =	shalt  }
0x81: {  	_ =	shalt  }
0x82: {  	_ =	shalt  }
0x83: {  	_ =	shalt  }
0x84: {  	_ =	shalt  }
0x85: {  	_ =	shalt  }
0x86: {  	_ =	shalt  }
0x87: {  	_ =	shalt  }
.Lfunc_end0:
.L_simem_size_0:
called_computation_lowered:
.L_overlay_start_0:
0x88: {  	s2 =	sld [smem:$0x3FD9]  }
0x89: {  	s3 =	sld [smem:$0x3FFE];
	_ =	sdelay $0x1  }
0x8a: {  	s1 =	srdreg.scid  }
0x8b: {  	s0 =	sand.u32 $0x1, s1  }
0x8c: {  	s16 =	sshll.u32 s0, $0xA;
	s2 =	sadd.s32 s3, s2  }
0x8d: {  	s2 =	sadd.s32 s2, s16  }
0x8e: {  	[smem:$0x3FC2] =	sst s2  }
0x8f: {  	_ = 	snop  }
0x90: {  	(tm) =	ssettm $0x1  }
0x91: {  	s17 =	sld [smem:$0x3FFB];
	_ =	sdelay $0x3  }
0x92: {  	_ =	strace s17  }
0x93: {  	s2 =	sld [smem:$0x3FFC];
	_ =	sdelay $0x3  }
0x94: {  	_ =	strace s2  }
0x95: {  	s2 =	sld [smem:$0x3FFD];
	_ =	sdelay $0x3  }
0x96: {  	_ =	strace s2  }
0x97: {  	_ =	strace $0x8FFFFFFF  }
0x98: {  	s18 =	sld [smem:$0x3FDB];
	_ =	sdelay $0x1  }
0x99: {  	s19 =	simm.s32 $_scs_section_size  }
0x9a: {  	s4 =	simm.s32 $_size__tile_overlayer_lowered;
	s5 =	simm.s32 $_tile_overlayer_lowered  }
0x9b: {  	s22 =	simm.s32 $0x1BFF;
	s21 =	sshll.u32 s5, $0x1;
	s2 =	sadd.s32 s19, s18  }
0x9c: {  	s6 =	simm.s32 $0x0;
	s20 =	sshll.u32 s4, $0x1;
	s4 =	sadd.s32 s21, s2  }
0x9d: {  	[timem:s6], [sflag:s22] =	dma.local [hbm:s4], s20  }
0x9e: {  	_ =	swait.ge [sflag:s22], s20  }
0x9f: {  	s3 =	ssub.s32 $0x0, s20;
	[sflag:s22] =	ssyncset.done $0x0  }
0xa0: {  	[sflag:s22] =	ssyncadd.s32 s3;
	_ =	sdelay $0x1  }
0xa1: {  	s23 =	simm.s32 $0x1B8B  }
0xa2: {  	_ =	swait.ge [sflag:s23], $0x1  }
0xa3: {  	[sflag:s23] =	ssyncset.done $0x0  }
0xa4: {  	s25 =	simm.s32 $0x1B8E;
	s24 =	sld [smem:$0x3FFE];
	[sflag:s23] =	ssyncadd.s32 $0xFFFFFFFF  }
0xa5: {  	s26 =	simm.s32 $execute0_lowered;
	[smem:$0x3FD2] =	sst s25  }
0xa6: {  	s4 =	sshll.u32 s26, $0x1;
	_ =	strace $0x80000046;
	[dreg:$0x1] =	wrdreg $0xFFFFFFFF  }
0xa7: {  	s28 =	simm.s32 $_size_execute0_lowered;
	s2 =	sadd.s32 s2, s4;
	[dreg:$0x0] =	wrdreg $0x0  }
0xa8: {  	s4 =	sshll.u32 s28, $0x1;
	[dreg:$0x2] =	wrdreg s2  }
0xa9: {  	[dreg:$0x3] =	wrdreg s4  }
0xaa: {  	[dreg:$0x4] =	wrdreg $0xC0  }
0xab: {  	_ =	task [dreg:s6], $0x5FFFF  }
0xac: {  	[dreg:$0x1] =	wrdreg $0xFFFFFFFF  }
0xad: {  	[dreg:$0x0] =	wrdreg $0x60  }
0xae: {  	[dreg:$0x2] =	wrdreg s24  }
0xaf: {  	[dreg:$0x3] =	wrdreg $0x39800  }
0xb0: {  	[dreg:$0x4] =	wrdreg $0x9  }
0xb1: {  	_ =	task.clear_ibuf [dreg:s6], $0x5FFFF;
	_ =	strace $0x90000046  }
0xb2: {  	s29 =	simm.s32 $0x9;
	_ =	strace $0x80000048  }
0xb3: {  	_ =	swait.ge [sflag:s29], $0x1  }
0xb4: {  	[sflag:s29] =	ssyncadd.s32 $0xFFFFFFFF  }
0xb5: {  	_ =	strace $0x90000048  }
0xb6: {  	_ =	sfence  }
0xb7: {  	s30 =	sld [smem:$0x0];
	_ =	sdelay $0x2  }
0xb8: {  	s31 =	sshll.u32 s1, $0xD;
	s1 =	sshrl.u32 s1, $0x2  }
0xb9: {  	s3 =	sand.u32 $0x4000, s31;
	s1 =	sadd.s32 s1, s30  }
0xba: {  	s0 =	sor.u32 s3, s0;
	s1 =	sshll.u32 s1, $0x11  }
0xbb: {  	s0 =	sor.u32 s1, s0  }
0xbc: {  	s0 =	sadd.s32 $0x8F2B, s0  }
0xbd: {  	[sflag:s0] =	ssyncadd.remote.s32 $0x1  }
0xbe: {  	_ =	sfence.sel $0xFFFF  }
0xbf: {  	[dreg:$0x0] =	wrdreg $0xFFFFFFFF;
	(pc) =	sbr.abs _section_cstart, $3  }
0xc0: {  	[dreg:$0x1] =	wrdreg $0xFFFFFFFF  }
0xc1: {  	_ =	task.clear_ibuf [dreg:s6], $0x2FFFF;
	_ =	strace $0x9FFFFFFF  }
0xc2: {  	(tm) =	ssettm $0x7FFFFFFF  }
0xc3: {  	_ =	shalt  }
tec
execute0_lowered:
.L_overlay_start_1:
0x0: {  	(tag) =	ssettag $0x1  }
0x1: {  	s5 =	rddreg [dreg:$0x0]  }
0x2: {  	s1 =	srdreg.scid;
	s0 =	stileid.u32  }
0x3: {  	s2 =	rddreg [dreg:$0x1];
	s3 =	simm.s32 $0x0;
	s10 =	simm.s32 $0x2  }
0x4: {  	s11 =	simm.s32 $0x80;
	s12 =	simm.s32 $0x2000;
	s13 =	simm.s32 $0x1  }
0x5: {  	s6 =	sand.u32 $0x1, s1;
	s7 =	smul.u32 $0x1900, s0;
	s1 =	rddreg [dreg:$0x2]  }
0x6: {  	s14 =	simm.s32 $0x0;
	[smem:$0x7FF] =	sst s3;
	s4 =	smul.u32 $0x19000, s6  }
0x7: {  	_ =	strace $0x80000047;
	s9 =	ssub.s32 $0x2, s6;
	s6 =	sshll.u32 s6, $0x4  }
0x8: {  	s31 =	sshrl.u32 s9, $0x1;
	s6 =	sor.u32 s0, s6;
	s8 =	sadd.s32 s7, s4  }
0x9: {  	s4 =	sadd.s32 $0xC5E00, s5;
	s9 =	ssub.s32 s9, s31;
	s8 =	sshrl.u32 s8, $0x3  }
0xa: {  	s6 =	smul.u32 $0x32000, s6;
	s8 =	sadd.s32 s8, s5;
	s5 =	sadd.s32 s7, s2  }
0xb: {  	v0 =	vimm.f32 $1.000000000e+00;
	v1 =	vimm.f32 $0.0e+00;
	s7 =	sadd.s32 $0x2800, s8;
	s8 =	smax.u32 s9, $0x1;
	s9 =	simm.s32 $0x2080  }
.LBB2_1:
0xc: {  	[tilespmem:$0x2000] =	vst v0  }
0xd: {  	[tilespmem:$0x2010] =	vst v0  }
0xe: {  	[tilespmem:$0x2020] =	vst v0  }
0xf: {  	[tilespmem:$0x2030] =	vst v0  }
0x10: {  	[tilespmem:$0x2040] =	vst v0  }
0x11: {  	[tilespmem:$0x2050] =	vst v0  }
0x12: {  	[tilespmem:$0x2060] =	vst v0  }
0x13: {  	[tilespmem:$0x2070] =	vst v0;
	s15 =	simm.s32 $0x40;
	s16 =	simm.s32 $0x0  }
.LBB2_2:
0x14: {  	p0 =	sne.s32 s15, $0x63C0;
	[tilespmem:s16+$0x2080] =	vst v1;
	s16 =	smov.u32 s15;
	s15 =	sadd.s32 $0x40, s15  }
.Ltmp0:
0x15: {  	(pc) =	sbr.rel @p0 .LBB2_2-.Ltmp0, $2  }
0x16: {  	_ =	sdelay $0x2  }
0x17: {  	s16 =	sshra.s32 s16, $0x2  }
0x18: {  	[tilespmem:s16+$0x2080] =	vst v1  }
0x19: {  	[spmem:s5] =	stream.linear.scatter [tilespmem:s9], [sflag:$0x2], $0x1900, $0x38;
	[tilespmem:$0x5280] =	vst v63  }
0x1a: {  	_ =	swait.ge [sflag:s10], $0x1900  }
0x1b: {  	[sflag:s10] =	ssyncset.done $0x0  }
0x1c: {  	[sflag:s10] =	ssyncadd.s32 $0xFFFFE700  }
0x1d: {  	s15 =	simm.s32 $0x0;
	s16 =	simm.s32 $0x0;
	[bflag:$0x0] =	sbarrier.arrive $0xFFFF  }
.LBB2_4:
0x1e: {  	s17 =	sshll.u32 s16, $0xD  }
0x1f: {  	s17 =	sadd.s32 s6, s17  }
0x20: {  	s17 =	sshrl.u32 s17, $0x3  }
0x21: {  	s17 =	sadd.s32 s4, s17  }
0x22: {  	[tilespmem:s15], [sflag:$0x2] =	stream.linear.gather [hbm4b:s17+s15], $0x2000, $0x38;
	[tilespmem:$0x5280] =	vst v63  }
0x23: {  	_ =	swait.ge [sflag:s10], $0x2000  }
0x24: {  	[sflag:s10] =	ssyncset.done $0x0  }
0x25: {  	s17 =	simm.s32 $0x0;
	[sflag:s10] =	ssyncadd.s32 $0xFFFFE000  }
.LBB2_5:
0x26: {  	p0 =	sne.s32 s17, $0x7E00  }
.Ltmp1:
0x27: {  	_ = 	snop;
	(pc) =	sbr.rel @p0 .LBB2_5-.Ltmp1, $3  }
0x28: {  	_ =	sdelay $0x1  }
0x29: {  	s18 =	sshra.s32 s17, $0x2;
	s17 =	sadd.s32 $0x200, s17  }
0x2a: {  	[spmem:s2] =	stream.indirect.scatter.add.f32 [tilespmem:s12], [sflag:$0x1], $0x1, s18, s11, $0xb8;
	[tilespmem:$0x5280] =	vst v63  }
0x2b: {  	_ =	swait.ge [sflag:s13], $0x80  }
0x2c: {  	s17 =	simm.s32 $0x3F;
	[sflag:s13] =	ssyncset.done $0x0  }
.LBB2_7:
0x2d: {  	p0 =	sne.s32 s17, $0x1;
	s17 =	sadd.s32 $0xFFFFFFFF, s17;
	[sflag:s13] =	ssyncadd.s32 $0xFFFFFF80  }
.Ltmp2:
0x2e: {  	(pc) =	sbr.rel @p0 .LBB2_7-.Ltmp2, $3  }
0x2f: {  	_ =	sdelay $0x1  }
0x30: {  	_ =	swait.ge [sflag:s13], $0x80  }
0x31: {  	[sflag:s13] =	ssyncset.done $0x0  }
0x32: {  	s16 =	sadd.s32 $0x1, s16  }
0x33: {  	p0 =	sne.s32 s16, $0x19  }
.Ltmp3:
0x34: {  	_ = 	snop;
	(pc) =	sbr.rel @p0 .LBB2_4-.Ltmp3, $2  }
0x35: {  	_ =	sdelay $0x2  }
0x36: {  	[sflag:s13] =	ssyncadd.s32 $0xFFFFFF80  }
0x37: {  	[bflag:$0x0] =	sbarrier.arrive $0xFFFF  }
0x38: {  	[tilespmem:s9], [sflag:$0x2] =	stream.linear.gather [spmem:s5], $0x1900, $0x38;
	[tilespmem:$0x5280] =	vst v63  }
0x39: {  	s14 =	sadd.s32 $0x1, s14;
	_ =	swait.ge [sflag:s10], $0x1900  }
0x3a: {  	p0 =	sne.s32 s14, s8;
	[sflag:s10] =	ssyncset.done $0x0  }
.Ltmp4:
0x3b: {  	[sflag:s10] =	ssyncadd.s32 $0xFFFFE700;
	(pc) =	sbr.rel @p0 .LBB2_1-.Ltmp4, $4  }
0x3c: {  	[hbm4b:s7+s3] =	stream.linear.scatter [tilespmem:s9], [sflag:$0x2], $0x1900, $0x38;
	[tilespmem:$0x5280] =	vst v63  }
0x3d: {  	_ =	swait.ge [sflag:s10], $0x1900  }
0x3e: {  	[sflag:s10] =	ssyncset.done $0x0  }
0x3f: {  	[sflag:s10] =	ssyncadd.s32 $0xFFFFE700  }
0x40: {  	_ =	sfence.sel $0x180000  }
0x41: {  	[bflag:$0x0] =	sbarrier.arrive $0xFFFF  }
0x42: {  	p0 =	sne.s32 s0, $0x0;
	_ =	strace $0x90000047  }
0x43: {  	s0 =	sadd.s32 @!p0 $0x100000, s1;
	[bflag:$0x2] =	sbarrier.arrive $0xFFFF  }
0x44: {  	[sflag:s0] =	ssyncadd.tile.s32 @!p0 $0x1;
	_ =	shalt  }
.Lfunc_end2:
_tile_overlayer_lowered:
.L_overlay_start_2:
0x45: {  	(tag) =	ssettag $0x2  }
0x46: {  	s0 =	rddreg [dreg:$0x0];
	s2 =	stileid.u32  }
0x47: {  	s1 =	rddreg [dreg:$0x1];
	p0 =	sne.s32 s2, $0x0  }
0x48: {  	s3 =	rddreg [dreg:$0x2];
	[bflag:$0x3] =	sbarrier.arrive $0xFFFF;
	s2 =	simm.s32 @!p0 $0x1C02  }
0x49: {  	[timem:s3], [sflag:s2] =	dma.local @!p0 [hbm:s0], s1  }
0x4a: {  	s0 =	simm.s32 @!p0 $0x2  }
0x4b: {  	_ =	swait.ge @!p0 [sflag:s0], s1  }
0x4c: {  	s1 =	ssub.s32 @!p0 $0x0, s1;
	[sflag:s0] =	ssyncset.done @!p0 $0x0  }
0x4d: {  	[sflag:s0] =	ssyncadd.s32 @!p0 s1  }
0x4e: {  	[bflag:$0x3] =	sbarrier.arrive $0xFFFF  }
0x4f: {  	_ =	shalt  }

</sc_bundles>
